<compile_context>
chip_gen: v7x
topology: tpu7x:2x2x1
jax: 0.10.2.dev20260603
libtpu: 0.0.44.dev20260713+nightly
codegen_flags: <defaults>
</compile_context>

<pallas_src>
import jax
import jax.numpy as jnp
from jax import lax
from jax.experimental import pallas as pl
from jax.experimental.pallas import tpu as pltpu
from jax.experimental.pallas import tpu_sc as plsc

NC = 2
NS = 16
LN = 16
K = 120
CW = 24
PAD = 8

_INTERPRET = False


def _encode_body(a_ref, w_ref, al_ref, o_ref):
    a = a_ref[...]
    p = jnp.where(a >= 0.0, a, al_ref[0, 0] * a)
    o_ref[...] = lax.dot_general(
        p, w_ref[...], (((1,), (1,)), ((), ())),
        preferred_element_type=jnp.float32)


def _encode(node_attr, W_enc, prelu_a):
    N, IN = node_attr.shape
    HF = IN // 2
    BN = 1000
    NB = N // BN
    return pl.pallas_call(
        _encode_body,
        grid=(2, NB),
        in_specs=[
            pl.BlockSpec((BN, IN), lambda h, i: (i, 0)),
            pl.BlockSpec((HF, IN), lambda h, i: (h, 0)),
            pl.BlockSpec(memory_space=pltpu.SMEM),
        ],
        out_specs=pl.BlockSpec((BN, HF), lambda h, i: (h * NB + i, 0)),
        out_shape=jax.ShapeDtypeStruct((2 * N, HF), jnp.float32),
        interpret=_INTERPRET,
    )(node_attr, W_enc, prelu_a.reshape(1, 1))


def _sc_aggregate(x_flat, packed, zeros_hbm):
    twoN, HF = x_flat.shape
    N = twoN // 2
    NCHUNK = packed.shape[0]
    CH = NCHUNK // NS
    NPAIR = CH // 2
    NR = N + PAD
    RPT = ((N // NS + 7) // 8) * 8
    RPT_L = N - (NS - 1) * RPT
    NW = N * CW
    NWP = NW + 128
    CPW = ((NW // NS + 127) // 128) * 128
    CPW_L = NW - (NS - 1) * CPW

    mesh = plsc.VectorSubcoreMesh(
        core_axis_name="c", subcore_axis_name="s",
        num_cores=NC, num_subcores=NS)

    def body(x_hbm, idx_hbm, zero_hbm, acc_out, cnt_out,
             ib0, ib1, rows0, rows1, ones_v,
             acc_sh, cnt_sh, gsem, ssem0, ssem1, csem):
        cid = lax.axis_index("c")
        wid = lax.axis_index("s")
        coff = cid * N

        def init_wb(rows, words, store):
            r0 = pl.multiple_of(wid * RPT, 8)
            w0 = pl.multiple_of(wid * CPW, 128)
            if store:
                pltpu.sync_copy(acc_sh.at[pl.ds(r0, rows)],
                                acc_out.at[pl.ds(pl.multiple_of(
                                    coff + wid * RPT, 8), rows)])
                pltpu.sync_copy(
                    cnt_sh.at[pl.ds(w0, words)],
                    cnt_out.at[pl.ds(pl.multiple_of(
                        cid * NW + wid * CPW, 128), words)])
            else:
                pltpu.sync_copy(x_hbm.at[pl.ds(pl.multiple_of(
                                    coff + wid * RPT, 8), rows)],
                                acc_sh.at[pl.ds(r0, rows)])
                pltpu.sync_copy(zero_hbm.at[pl.ds(w0, words)],
                                cnt_sh.at[pl.ds(w0, words)])

        @pl.when(wid < NS - 1)
        def _():
            init_wb(RPT, CPW, False)

        @pl.when(wid == NS - 1)
        def _():
            init_wb(RPT_L, CPW_L, False)
            pltpu.sync_copy(zero_hbm.at[pl.ds(NW, NWP - NW)],
                            cnt_sh.at[pl.ds(NW, NWP - NW)])

        one_offs = list(range(0, K - LN + 1, LN))
        if one_offs[-1] != K - LN:
            one_offs.append(K - LN)
        for o in one_offs:
            ones_v[pl.ds(o, LN)] = jnp.full((LN,), 1.0, jnp.float32)

        plsc.subcore_barrier()

        cbase = wid * CH

        def stage(chunk_idx, ib):
            pltpu.sync_copy(idx_hbm.at[cbase + chunk_idx], ib)

        def wait_scatter(rv, ib, sem):
            pltpu.make_async_copy(rv, acc_sh.at[ib.at[2]], sem).wait()

        def wait_cnt(ib):
            pltpu.make_async_copy(ones_v, cnt_sh.at[ib.at[3]], csem).wait()

        stage(0, ib0)

        def pair(j, carry):
            c0 = 2 * j
            g0 = pltpu.async_copy(x_hbm.at[ib0.at[cid]], rows0, gsem)

            @pl.when(j > 0)
            def _():
                wait_scatter(rows1, ib1, ssem1)

                @pl.when(cid == 1)
                def _():
                    wait_cnt(ib1)
            stage(c0 + 1, ib1)
            g1 = pltpu.async_copy(x_hbm.at[ib1.at[cid]], rows1, gsem)
            g0.wait()
            pltpu.async_copy(rows0, acc_sh.at[ib0.at[2]], ssem0, add=True)

            @pl.when(cid == 0)
            def _():
                pltpu.async_copy(ones_v, cnt_sh.at[ib0.at[3]], csem, add=True)

            @pl.when(j < NPAIR - 1)
            def _():
                wait_scatter(rows0, ib0, ssem0)

                @pl.when(cid == 0)
                def _():
                    wait_cnt(ib0)
                stage(c0 + 2, ib0)
            g1.wait()
            pltpu.async_copy(rows1, acc_sh.at[ib1.at[2]], ssem1, add=True)

            @pl.when(cid == 1)
            def _():
                pltpu.async_copy(ones_v, cnt_sh.at[ib1.at[3]], csem, add=True)
            return carry
        lax.fori_loop(0, NPAIR, pair, 0)

        wait_scatter(rows0, ib0, ssem0)
        wait_scatter(rows1, ib1, ssem1)
        wait_cnt(ib0)

        plsc.subcore_barrier()

        @pl.when(wid < NS - 1)
        def _():
            init_wb(RPT, CPW, True)

        @pl.when(wid == NS - 1)
        def _():
            init_wb(RPT_L, CPW_L, True)

    fn = pl.kernel(
        body,
        out_type=[
            jax.ShapeDtypeStruct((twoN, HF), jnp.float32),
            jax.ShapeDtypeStruct((NC * N * CW,), jnp.float32),
        ],
        mesh=mesh,
        scratch_types=[
            pltpu.VMEM((4, K), jnp.int32),
            pltpu.VMEM((4, K), jnp.int32),
            pltpu.VMEM((K, HF), jnp.float32),
            pltpu.VMEM((K, HF), jnp.float32),
            pltpu.VMEM((K,), jnp.float32),
            pltpu.VMEM_SHARED((NR, HF), jnp.float32),
            pltpu.VMEM_SHARED((NWP,), jnp.float32),
            pltpu.SemaphoreType.DMA,
            pltpu.SemaphoreType.DMA,
            pltpu.SemaphoreType.DMA,
            pltpu.SemaphoreType.DMA,
        ],
        interpret=_INTERPRET,
    )
    return fn(x_flat, packed, zeros_hbm)


def _mlp_body(a0_ref, a1_ref, c0_ref, c1_ref, t_ref, ca_ref, w1_ref, b1_ref,
              w2_ref, b2_ref, o_ref):
    aggr = jnp.concatenate([a0_ref[...], a1_ref[...]], axis=1)
    cnt = c0_ref[...] + c1_ref[...]
    aggr = aggr + lax.dot_general(
        cnt, t_ref[...], (((1,), (0,)), ((), ())),
        preferred_element_type=jnp.float32) + ca_ref[...]
    h = lax.dot_general(
        aggr, w1_ref[...], (((1,), (1,)), ((), ())),
        preferred_element_type=jnp.float32) + b1_ref[...]
    h = jnp.maximum(h, 0.0)
    o_ref[...] = lax.dot_general(
        h, w2_ref[...], (((1,), (1,)), ((), ())),
        preferred_element_type=jnp.float32) + b2_ref[...]


def _mlp(acc, cnt2, T_pad, const_attr, W1, b1, W2, b2):
    twoN, HF = acc.shape
    N = twoN // 2
    IN = 2 * HF
    HID = W1.shape[0]
    OUT = W2.shape[0]
    BN = 1000
    NB = N // BN
    return pl.pallas_call(
        _mlp_body,
        grid=(NB,),
        in_specs=[
            pl.BlockSpec((BN, HF), lambda i: (i, 0)),
            pl.BlockSpec((BN, HF), lambda i: (i + NB, 0)),
            pl.BlockSpec((BN, CW), lambda i: (i, 0)),
            pl.BlockSpec((BN, CW), lambda i: (i + NB, 0)),
            pl.BlockSpec((CW, IN), lambda i: (0, 0)),
            pl.BlockSpec((1, IN), lambda i: (0, 0)),
            pl.BlockSpec((HID, IN), lambda i: (0, 0)),
            pl.BlockSpec((1, HID), lambda i: (0, 0)),
            pl.BlockSpec((OUT, HID), lambda i: (0, 0)),
            pl.BlockSpec((1, OUT), lambda i: (0, 0)),
        ],
        out_specs=pl.BlockSpec((BN, OUT), lambda i: (i, 0)),
        out_shape=jax.ShapeDtypeStruct((N, OUT), jnp.float32),
        interpret=_INTERPRET,
    )(acc, acc, cnt2, cnt2, T_pad, const_attr, W1, b1, W2, b2)


def kernel(node_attr, edge_index, edge_type, edge_dire_type, W_enc, prelu_a,
           emb1, emb2, W1, b1, W2, b2):
    N, IN = node_attr.shape
    E = edge_index.shape[1]
    nd = emb2.shape[0]

    src = edge_index[0].astype(jnp.int32)
    dst = edge_index[1].astype(jnp.int32)
    code = edge_type.astype(jnp.int32) * nd + edge_dire_type.astype(jnp.int32)
    EPK = NS * K * 2
    EP = ((E + EPK - 1) // EPK) * EPK
    npad = EP - E
    src = jnp.concatenate([src, jnp.zeros((npad,), jnp.int32)])
    dst = jnp.concatenate([dst, jnp.full((npad,), N, jnp.int32)])
    code = jnp.concatenate([code, jnp.zeros((npad,), jnp.int32)])
    flat = dst * CW + code
    srcr = src.reshape(-1, K)
    packed = jnp.stack(
        [srcr, srcr + N, dst.reshape(-1, K), flat.reshape(-1, K)], axis=1)
    zeros = jnp.zeros((N * CW + 128,), jnp.float32)

    nb = emb1.shape[0]
    t_idx = jnp.repeat(jnp.arange(nb), nd)
    d_idx = jnp.tile(jnp.arange(nd), nb)
    T = emb1[t_idx] + emb2[d_idx]
    T_pad = jnp.zeros((CW, IN), jnp.float32).at[:nb * nd].set(T)
    const_attr = (emb1[4] + emb2[0]).reshape(1, IN)

    x_flat = _encode(node_attr, W_enc, prelu_a.astype(jnp.float32))
    acc, cnt = _sc_aggregate(x_flat, packed, zeros)
    cnt2 = cnt.reshape(2 * N, CW)
    return _mlp(acc, cnt2, T_pad, const_attr, W1, b1.reshape(1, -1),
                W2, b2.reshape(1, -1))

# --- scband reference (transcript-rebuilt; emitter-appended) ---
"""Pipeline reference for scband-gnndecoder-53369263620700 (READ-ONLY COPY).

The authoritative reference and input builder live on the scoring server;
editing this copy changes nothing except your own understanding.
"""

import jax, jax.numpy as jnp
import numpy as np

IN_DIM = 256
HIDDEN_DIM = 512
OUT_DIM = 256
N_NODES = 10000
N_EDGES = 160000
NUM_BOND_TYPE = 6
NUM_BOND_DIRECTION = 3


def setup_inputs(seed: int = 0) -> dict:
    key = jax.random.key(seed)
    ks = jax.random.split(key, 12)
    node_attr = jax.random.normal(ks[0], (N_NODES, IN_DIM), dtype=jnp.float32)
    edge_index = jax.random.randint(ks[1], (2, N_EDGES), 0, N_NODES, dtype=jnp.int64)
    edge_type = jax.random.randint(ks[2], (N_EDGES,), 0, NUM_BOND_TYPE, dtype=jnp.int64)
    edge_dire_type = jax.random.randint(ks[3], (N_EDGES,), 0, NUM_BOND_DIRECTION, dtype=jnp.int64)
    # learned parameters
    W_enc = jax.random.normal(ks[4], (IN_DIM, IN_DIM), dtype=jnp.float32) * (1.0 / np.sqrt(IN_DIM))
    prelu_a = jnp.asarray(0.25, dtype=jnp.float32)
    emb1 = jax.random.normal(ks[5], (NUM_BOND_TYPE, IN_DIM), dtype=jnp.float32) * 0.02
    emb2 = jax.random.normal(ks[6], (NUM_BOND_DIRECTION, IN_DIM), dtype=jnp.float32) * 0.02
    W1 = jax.random.normal(ks[7], (HIDDEN_DIM, IN_DIM), dtype=jnp.float32) * (1.0 / np.sqrt(IN_DIM))
    b1 = jnp.zeros((HIDDEN_DIM,), dtype=jnp.float32)
    W2 = jax.random.normal(ks[8], (OUT_DIM, HIDDEN_DIM), dtype=jnp.float32) * (1.0 / np.sqrt(HIDDEN_DIM))
    b2 = jnp.zeros((OUT_DIM,), dtype=jnp.float32)
    return {
        "node_attr": node_attr,
        "edge_index": edge_index,
        "edge_type": edge_type,
        "edge_dire_type": edge_dire_type,
        "W_enc": W_enc,
        "prelu_a": prelu_a,
        "emb1": emb1,
        "emb2": emb2,
        "W1": W1,
        "b1": b1,
        "W2": W2,
        "b2": b2,
    }


def reference(node_attr, edge_index, edge_type, edge_dire_type, W_enc, prelu_a, emb1, emb2, W1, b1, W2, b2):
    # PReLU
    x = jnp.where(node_attr >= 0, node_attr, prelu_a * node_attr)
    # enc_to_dec (Linear, no bias); dropout p=0 is identity
    x = x @ W_enc.T
    N = x.shape[0]
    d = x.shape[1]
    # add self loops
    sl = jnp.arange(N, dtype=edge_index.dtype)
    ei = jnp.concatenate([edge_index, jnp.stack([sl, sl], axis=0)], axis=1)
    # edge embeddings (self-loop attr uses bond type 4, direction 0)
    edge_attr = jnp.take(emb1, edge_type, axis=0) + jnp.take(emb2, edge_dire_type, axis=0)
    self_loop_attr = jnp.broadcast_to(emb1[4] + emb2[0], (N, d))
    edge_attr = jnp.concatenate([edge_attr, self_loop_attr], axis=0)
    # message: x_j + edge_attr; aggregate: scatter-add to destination nodes
    msg = jnp.take(x, ei[0], axis=0) + edge_attr
    aggr = jnp.zeros((N, d), dtype=x.dtype).at[ei[1]].add(msg)
    # update: MLP
    h = jnp.maximum(aggr @ W1.T + b1, 0.0)
    h = h @ W2.T + b2
    return h

if __name__ == "__main__":
    import jax
    _d = setup_inputs()
    print(jax.jit(kernel)(*tuple(_d.values())))

</pallas_src>

<mosaic_0001>
#map = affine_map<(d0, d1) -> (0, 0)>
#map1 = affine_map<(d0, d1) -> (0, 0, 0)>
#map2 = affine_map<(d0, d1) -> (0)>
module attributes {stable_mosaic.version = 14 : i64} {
  func.func @body(%arg0: i32, %arg1: i32, %arg2: memref<20000x128xf32, #tpu.memory_space<hbm>>, %arg3: memref<1344x4x120xi32, #tpu.memory_space<hbm>>, %arg4: memref<240128xf32, #tpu.memory_space<hbm>>, %arg5: memref<20000x128xf32, #tpu.memory_space<hbm>>, %arg6: memref<480000xf32, #tpu.memory_space<hbm>>, %arg7: memref<4x120xi32, #tpu.memory_space<vmem>>, %arg8: memref<4x120xi32, #tpu.memory_space<vmem>>, %arg9: memref<120x128xf32, #tpu.memory_space<vmem>>, %arg10: memref<120x128xf32, #tpu.memory_space<vmem>>, %arg11: memref<120xf32, #tpu.memory_space<vmem>>, %arg12: memref<10008x128xf32, #tpu.memory_space<vmem_shared>>, %arg13: memref<240128xf32, #tpu.memory_space<vmem_shared>>, %arg14: memref<!tpu.dma_semaphore, #tpu.memory_space<semaphore_mem>>, %arg15: memref<!tpu.dma_semaphore, #tpu.memory_space<semaphore_mem>>, %arg16: memref<!tpu.dma_semaphore, #tpu.memory_space<semaphore_mem>>, %arg17: memref<!tpu.dma_semaphore, #tpu.memory_space<semaphore_mem>>) attributes {dimension_semantics = [#tpu.dimension_semantics<core_parallel>, #tpu.dimension_semantics<subcore_parallel>], iteration_bounds = array<i64: 2, 16>, scalar_prefetch = 0 : i64, scratch_operands = 11 : i64, tpu.core_type = #tpu.core_type<sc_vector_subcore>, window_params = [{transform_indices = #map}, {transform_indices = #map1}, {transform_indices = #map2}, {transform_indices = #map}, {transform_indices = #map2}]} {
    %mul3A = arith.constant 10000 : i32
    %mul3A_0 = arith.muli %arg0, %mul3A : i32
    %lt3A = arith.constant 15 : i32
    %lt3A_1 = arith.cmpi slt, %arg1, %lt3A : i32
    %convert_element_type3A = arith.extui %lt3A_1 : i1 to i32
    %cond3A = arith.constant 0 : i32
    %cond3A_2 = arith.cmpi ne, %convert_element_type3A, %cond3A : i32
    scf.if %cond3A_2 {
      %mul3A_91 = arith.constant 632 : i32
      %mul3A_92 = arith.muli %arg1, %mul3A_91 : i32
      %multiple_of3A = tpu.assume_multiple %mul3A_92, 8 : i32
      %mul3A_93 = arith.constant 15104 : i32
      %mul3A_94 = arith.muli %arg1, %mul3A_93 : i32
      %multiple_of3A_95 = tpu.assume_multiple %mul3A_94, 128 : i32
      %mul3A_96 = arith.constant 632 : i32
      %mul3A_97 = arith.muli %arg1, %mul3A_96 : i32
      %add3A_98 = arith.addi %mul3A_0, %mul3A_97 : i32
      %multiple_of3A_99 = tpu.assume_multiple %add3A_98, 8 : i32
      "tpu.region"() ({
        %run_scoped3A = tpu.sem_alloc : memref<!tpu.dma_semaphore, #tpu.memory_space<semaphore_mem>>
        %dma_start3A = arith.constant 0 : i32
        %dma_start3A_100 = tpu.memref_slice %arg12[%multiple_of3A, %dma_start3A] : memref<10008x128xf32, #tpu.memory_space<vmem_shared>> -> memref<632x128xf32, #tpu.memory_space<vmem_shared>>
        %dma_start3A_101 = arith.constant 0 : i32
        %dma_start3A_102 = tpu.memref_slice %arg2[%multiple_of3A_99, %dma_start3A_101] : memref<20000x128xf32, #tpu.memory_space<hbm>> -> memref<632x128xf32, #tpu.memory_space<hbm>>
        tpu.enqueue_dma source(%dma_start3A_102 : memref<632x128xf32, #tpu.memory_space<hbm>>) target(%dma_start3A_100 : memref<632x128xf32, #tpu.memory_space<vmem_shared>>) target_semaphore(%run_scoped3A : memref<!tpu.dma_semaphore, #tpu.memory_space<semaphore_mem>>)
        %dma_wait3A_103 = arith.constant 0 : i32
        %dma_wait3A_104 = tpu.memref_slice %arg12[%multiple_of3A, %dma_wait3A_103] : memref<10008x128xf32, #tpu.memory_space<vmem_shared>> -> memref<632x128xf32, #tpu.memory_space<vmem_shared>>
        %dma_wait3A_105 = arith.constant 0 : i32
        %dma_wait3A_106 = tpu.memref_slice %arg2[%multiple_of3A_99, %dma_wait3A_105] : memref<20000x128xf32, #tpu.memory_space<hbm>> -> memref<632x128xf32, #tpu.memory_space<hbm>>
        tpu.wait_dma2 semaphore(%run_scoped3A : memref<!tpu.dma_semaphore, #tpu.memory_space<semaphore_mem>>) src(%dma_wait3A_106 : memref<632x128xf32, #tpu.memory_space<hbm>>) dst(%dma_wait3A_104 : memref<632x128xf32, #tpu.memory_space<vmem_shared>>)
        tpu.yield
      }) : () -> ()
      "tpu.region"() ({
        %run_scoped3A = tpu.sem_alloc : memref<!tpu.dma_semaphore, #tpu.memory_space<semaphore_mem>>
        %dma_start3A = tpu.memref_slice %arg13[%multiple_of3A_95] : memref<240128xf32, #tpu.memory_space<vmem_shared>> -> memref<15104xf32, #tpu.memory_space<vmem_shared>>
        %dma_start3A_100 = tpu.memref_slice %arg4[%multiple_of3A_95] : memref<240128xf32, #tpu.memory_space<hbm>> -> memref<15104xf32, #tpu.memory_space<hbm>>
        tpu.enqueue_dma source(%dma_start3A_100 : memref<15104xf32, #tpu.memory_space<hbm>>) target(%dma_start3A : memref<15104xf32, #tpu.memory_space<vmem_shared>>) target_semaphore(%run_scoped3A : memref<!tpu.dma_semaphore, #tpu.memory_space<semaphore_mem>>)
        %dma_wait3A_101 = tpu.memref_slice %arg13[%multiple_of3A_95] : memref<240128xf32, #tpu.memory_space<vmem_shared>> -> memref<15104xf32, #tpu.memory_space<vmem_shared>>
        %dma_wait3A_102 = tpu.memref_slice %arg4[%multiple_of3A_95] : memref<240128xf32, #tpu.memory_space<hbm>> -> memref<15104xf32, #tpu.memory_space<hbm>>
        tpu.wait_dma2 semaphore(%run_scoped3A : memref<!tpu.dma_semaphore, #tpu.memory_space<semaphore_mem>>) src(%dma_wait3A_102 : memref<15104xf32, #tpu.memory_space<hbm>>) dst(%dma_wait3A_101 : memref<15104xf32, #tpu.memory_space<vmem_shared>>)
        tpu.yield
      }) : () -> ()
    } else {
    }
    %eq3A = arith.constant 15 : i32
    %eq3A_3 = arith.cmpi eq, %arg1, %eq3A : i32
    %convert_element_type3A_4 = arith.extui %eq3A_3 : i1 to i32
    %cond3A_5 = arith.constant 0 : i32
    %cond3A_6 = arith.cmpi ne, %convert_element_type3A_4, %cond3A_5 : i32
    scf.if %cond3A_6 {
      %mul3A_91 = arith.constant 632 : i32
      %mul3A_92 = arith.muli %arg1, %mul3A_91 : i32
      %multiple_of3A = tpu.assume_multiple %mul3A_92, 8 : i32
      %mul3A_93 = arith.constant 15104 : i32
      %mul3A_94 = arith.muli %arg1, %mul3A_93 : i32
      %multiple_of3A_95 = tpu.assume_multiple %mul3A_94, 128 : i32
      %mul3A_96 = arith.constant 632 : i32
      %mul3A_97 = arith.muli %arg1, %mul3A_96 : i32
      %add3A_98 = arith.addi %mul3A_0, %mul3A_97 : i32
      %multiple_of3A_99 = tpu.assume_multiple %add3A_98, 8 : i32
      "tpu.region"() ({
        %run_scoped3A = tpu.sem_alloc : memref<!tpu.dma_semaphore, #tpu.memory_space<semaphore_mem>>
        %dma_start3A = arith.constant 0 : i32
        %dma_start3A_100 = tpu.memref_slice %arg12[%multiple_of3A, %dma_start3A] : memref<10008x128xf32, #tpu.memory_space<vmem_shared>> -> memref<520x128xf32, #tpu.memory_space<vmem_shared>>
        %dma_start3A_101 = arith.constant 0 : i32
        %dma_start3A_102 = tpu.memref_slice %arg2[%multiple_of3A_99, %dma_start3A_101] : memref<20000x128xf32, #tpu.memory_space<hbm>> -> memref<520x128xf32, #tpu.memory_space<hbm>>
        tpu.enqueue_dma source(%dma_start3A_102 : memref<520x128xf32, #tpu.memory_space<hbm>>) target(%dma_start3A_100 : memref<520x128xf32, #tpu.memory_space<vmem_shared>>) target_semaphore(%run_scoped3A : memref<!tpu.dma_semaphore, #tpu.memory_space<semaphore_mem>>)
        %dma_wait3A_103 = arith.constant 0 : i32
        %dma_wait3A_104 = tpu.memref_slice %arg12[%multiple_of3A, %dma_wait3A_103] : memref<10008x128xf32, #tpu.memory_space<vmem_shared>> -> memref<520x128xf32, #tpu.memory_space<vmem_shared>>
        %dma_wait3A_105 = arith.constant 0 : i32
        %dma_wait3A_106 = tpu.memref_slice %arg2[%multiple_of3A_99, %dma_wait3A_105] : memref<20000x128xf32, #tpu.memory_space<hbm>> -> memref<520x128xf32, #tpu.memory_space<hbm>>
        tpu.wait_dma2 semaphore(%run_scoped3A : memref<!tpu.dma_semaphore, #tpu.memory_space<semaphore_mem>>) src(%dma_wait3A_106 : memref<520x128xf32, #tpu.memory_space<hbm>>) dst(%dma_wait3A_104 : memref<520x128xf32, #tpu.memory_space<vmem_shared>>)
        tpu.yield
      }) : () -> ()
      "tpu.region"() ({
        %run_scoped3A = tpu.sem_alloc : memref<!tpu.dma_semaphore, #tpu.memory_space<semaphore_mem>>
        %dma_start3A = tpu.memref_slice %arg13[%multiple_of3A_95] : memref<240128xf32, #tpu.memory_space<vmem_shared>> -> memref<13440xf32, #tpu.memory_space<vmem_shared>>
        %dma_start3A_100 = tpu.memref_slice %arg4[%multiple_of3A_95] : memref<240128xf32, #tpu.memory_space<hbm>> -> memref<13440xf32, #tpu.memory_space<hbm>>
        tpu.enqueue_dma source(%dma_start3A_100 : memref<13440xf32, #tpu.memory_space<hbm>>) target(%dma_start3A : memref<13440xf32, #tpu.memory_space<vmem_shared>>) target_semaphore(%run_scoped3A : memref<!tpu.dma_semaphore, #tpu.memory_space<semaphore_mem>>)
        %dma_wait3A_101 = tpu.memref_slice %arg13[%multiple_of3A_95] : memref<240128xf32, #tpu.memory_space<vmem_shared>> -> memref<13440xf32, #tpu.memory_space<vmem_shared>>
        %dma_wait3A_102 = tpu.memref_slice %arg4[%multiple_of3A_95] : memref<240128xf32, #tpu.memory_space<hbm>> -> memref<13440xf32, #tpu.memory_space<hbm>>
        tpu.wait_dma2 semaphore(%run_scoped3A : memref<!tpu.dma_semaphore, #tpu.memory_space<semaphore_mem>>) src(%dma_wait3A_102 : memref<13440xf32, #tpu.memory_space<hbm>>) dst(%dma_wait3A_101 : memref<13440xf32, #tpu.memory_space<vmem_shared>>)
        tpu.yield
      }) : () -> ()
      "tpu.region"() ({
        %run_scoped3A = tpu.sem_alloc : memref<!tpu.dma_semaphore, #tpu.memory_space<semaphore_mem>>
        %dma_start3A = arith.constant 240000 : i32
        %dma_start3A_100 = tpu.memref_slice %arg13[%dma_start3A] : memref<240128xf32, #tpu.memory_space<vmem_shared>> -> memref<128xf32, #tpu.memory_space<vmem_shared>>
        %dma_start3A_101 = arith.constant 240000 : i32
        %dma_start3A_102 = tpu.memref_slice %arg4[%dma_start3A_101] : memref<240128xf32, #tpu.memory_space<hbm>> -> memref<128xf32, #tpu.memory_space<hbm>>
        tpu.enqueue_dma source(%dma_start3A_102 : memref<128xf32, #tpu.memory_space<hbm>>) target(%dma_start3A_100 : memref<128xf32, #tpu.memory_space<vmem_shared>>) target_semaphore(%run_scoped3A : memref<!tpu.dma_semaphore, #tpu.memory_space<semaphore_mem>>)
        %dma_wait3A_103 = arith.constant 240000 : i32
        %dma_wait3A_104 = tpu.memref_slice %arg13[%dma_wait3A_103] : memref<240128xf32, #tpu.memory_space<vmem_shared>> -> memref<128xf32, #tpu.memory_space<vmem_shared>>
        %dma_wait3A_105 = arith.constant 240000 : i32
        %dma_wait3A_106 = tpu.memref_slice %arg4[%dma_wait3A_105] : memref<240128xf32, #tpu.memory_space<hbm>> -> memref<128xf32, #tpu.memory_space<hbm>>
        tpu.wait_dma2 semaphore(%run_scoped3A : memref<!tpu.dma_semaphore, #tpu.memory_space<semaphore_mem>>) src(%dma_wait3A_106 : memref<128xf32, #tpu.memory_space<hbm>>) dst(%dma_wait3A_104 : memref<128xf32, #tpu.memory_space<vmem_shared>>)
        tpu.yield
      }) : () -> ()
    } else {
    }
    %broadcast_in_dim3A = arith.constant 1.000000e+00 : f32
    %broadcast_in_dim3A_7 = vector.broadcast %broadcast_in_dim3A : f32 to vector<16xf32>
    %swap3A = arith.constant 0 : index
    %swap3A_8 = tpu.vector_load %arg11[%swap3A] {strides = array<i32>} : memref<120xf32, #tpu.memory_space<vmem>>, vector<16xf32>,
    %swap3A_9 = vector.shape_cast %swap3A_8 : vector<16xf32> to vector<16xf32>
    %swap3A_10 = vector.shape_cast %broadcast_in_dim3A_7 : vector<16xf32> to vector<16xf32>
    tpu.vector_store %arg11[%swap3A], %swap3A_10 {strides = array<i32>} : memref<120xf32, #tpu.memory_space<vmem>>, vector<16xf32>,
    %broadcast_in_dim3A_11 = arith.constant 1.000000e+00 : f32
    %broadcast_in_dim3A_12 = vector.broadcast %broadcast_in_dim3A_11 : f32 to vector<16xf32>
    %swap3A_13 = arith.constant 16 : index
    %swap3A_14 = tpu.vector_load %arg11[%swap3A_13] {strides = array<i32>} : memref<120xf32, #tpu.memory_space<vmem>>, vector<16xf32>,
    %swap3A_15 = vector.shape_cast %swap3A_14 : vector<16xf32> to vector<16xf32>
    %swap3A_16 = vector.shape_cast %broadcast_in_dim3A_12 : vector<16xf32> to vector<16xf32>
    tpu.vector_store %arg11[%swap3A_13], %swap3A_16 {strides = array<i32>} : memref<120xf32, #tpu.memory_space<vmem>>, vector<16xf32>,
    %broadcast_in_dim3A_17 = arith.constant 1.000000e+00 : f32
    %broadcast_in_dim3A_18 = vector.broadcast %broadcast_in_dim3A_17 : f32 to vector<16xf32>
    %swap3A_19 = arith.constant 32 : index
    %swap3A_20 = tpu.vector_load %arg11[%swap3A_19] {strides = array<i32>} : memref<120xf32, #tpu.memory_space<vmem>>, vector<16xf32>,
    %swap3A_21 = vector.shape_cast %swap3A_20 : vector<16xf32> to vector<16xf32>
    %swap3A_22 = vector.shape_cast %broadcast_in_dim3A_18 : vector<16xf32> to vector<16xf32>
    tpu.vector_store %arg11[%swap3A_19], %swap3A_22 {strides = array<i32>} : memref<120xf32, #tpu.memory_space<vmem>>, vector<16xf32>,
    %broadcast_in_dim3A_23 = arith.constant 1.000000e+00 : f32
    %broadcast_in_dim3A_24 = vector.broadcast %broadcast_in_dim3A_23 : f32 to vector<16xf32>
    %swap3A_25 = arith.constant 48 : index
    %swap3A_26 = tpu.vector_load %arg11[%swap3A_25] {strides = array<i32>} : memref<120xf32, #tpu.memory_space<vmem>>, vector<16xf32>,
    %swap3A_27 = vector.shape_cast %swap3A_26 : vector<16xf32> to vector<16xf32>
    %swap3A_28 = vector.shape_cast %broadcast_in_dim3A_24 : vector<16xf32> to vector<16xf32>
    tpu.vector_store %arg11[%swap3A_25], %swap3A_28 {strides = array<i32>} : memref<120xf32, #tpu.memory_space<vmem>>, vector<16xf32>,
    %broadcast_in_dim3A_29 = arith.constant 1.000000e+00 : f32
    %broadcast_in_dim3A_30 = vector.broadcast %broadcast_in_dim3A_29 : f32 to vector<16xf32>
    %swap3A_31 = arith.constant 64 : index
    %swap3A_32 = tpu.vector_load %arg11[%swap3A_31] {strides = array<i32>} : memref<120xf32, #tpu.memory_space<vmem>>, vector<16xf32>,
    %swap3A_33 = vector.shape_cast %swap3A_32 : vector<16xf32> to vector<16xf32>
    %swap3A_34 = vector.shape_cast %broadcast_in_dim3A_30 : vector<16xf32> to vector<16xf32>
    tpu.vector_store %arg11[%swap3A_31], %swap3A_34 {strides = array<i32>} : memref<120xf32, #tpu.memory_space<vmem>>, vector<16xf32>,
    %broadcast_in_dim3A_35 = arith.constant 1.000000e+00 : f32
    %broadcast_in_dim3A_36 = vector.broadcast %broadcast_in_dim3A_35 : f32 to vector<16xf32>
    %swap3A_37 = arith.constant 80 : index
    %swap3A_38 = tpu.vector_load %arg11[%swap3A_37] {strides = array<i32>} : memref<120xf32, #tpu.memory_space<vmem>>, vector<16xf32>,
    %swap3A_39 = vector.shape_cast %swap3A_38 : vector<16xf32> to vector<16xf32>
    %swap3A_40 = vector.shape_cast %broadcast_in_dim3A_36 : vector<16xf32> to vector<16xf32>
    tpu.vector_store %arg11[%swap3A_37], %swap3A_40 {strides = array<i32>} : memref<120xf32, #tpu.memory_space<vmem>>, vector<16xf32>,
    %broadcast_in_dim3A_41 = arith.constant 1.000000e+00 : f32
    %broadcast_in_dim3A_42 = vector.broadcast %broadcast_in_dim3A_41 : f32 to vector<16xf32>
    %swap3A_43 = arith.constant 96 : index
    %swap3A_44 = tpu.vector_load %arg11[%swap3A_43] {strides = array<i32>} : memref<120xf32, #tpu.memory_space<vmem>>, vector<16xf32>,
    %swap3A_45 = vector.shape_cast %swap3A_44 : vector<16xf32> to vector<16xf32>
    %swap3A_46 = vector.shape_cast %broadcast_in_dim3A_42 : vector<16xf32> to vector<16xf32>
    tpu.vector_store %arg11[%swap3A_43], %swap3A_46 {strides = array<i32>} : memref<120xf32, #tpu.memory_space<vmem>>, vector<16xf32>,
    %broadcast_in_dim3A_47 = arith.constant 1.000000e+00 : f32
    %broadcast_in_dim3A_48 = vector.broadcast %broadcast_in_dim3A_47 : f32 to vector<16xf32>
    %swap3A_49 = arith.constant 104 : index
    %swap3A_50 = tpu.vector_load %arg11[%swap3A_49] {strides = array<i32>} : memref<120xf32, #tpu.memory_space<vmem>>, vector<16xf32>,
    %swap3A_51 = vector.shape_cast %swap3A_50 : vector<16xf32> to vector<16xf32>
    %swap3A_52 = vector.shape_cast %broadcast_in_dim3A_48 : vector<16xf32> to vector<16xf32>
    tpu.vector_store %arg11[%swap3A_49], %swap3A_52 {strides = array<i32>} : memref<120xf32, #tpu.memory_space<vmem>>, vector<16xf32>,
    %barrier3A = arith.constant 0 : index
    tpu.barrier barrier_id(%barrier3A)
    %mul3A_53 = arith.constant 84 : i32
    %mul3A_54 = arith.muli %arg1, %mul3A_53 : i32
    %add3A = arith.constant 0 : i32
    %add3A_55 = arith.addi %mul3A_54, %add3A : i32
    "tpu.region"() ({
      %run_scoped3A = tpu.sem_alloc : memref<!tpu.dma_semaphore, #tpu.memory_space<semaphore_mem>>
      %dma_start3A = arith.constant 0 : i32
      %dma_start3A_91 = arith.constant 0 : i32
      %dma_start3A_92 = tpu.memref_slice %arg3[%add3A_55, %dma_start3A, %dma_start3A_91] : memref<1344x4x120xi32, #tpu.memory_space<hbm>> -> memref<1x4x120xi32, #tpu.memory_space<hbm>>
      %dma_start3A_93 = tpu.memref_squeeze %dma_start3A_92 : memref<1x4x120xi32, #tpu.memory_space<hbm>> -> memref<4x120xi32, #tpu.memory_space<hbm>>
      %dma_start3A_94 = arith.constant 0 : i32
      %dma_start3A_95 = arith.constant 0 : i32
      %dma_start3A_96 = tpu.memref_slice %arg3[%add3A_55, %dma_start3A_94, %dma_start3A_95] : memref<1344x4x120xi32, #tpu.memory_space<hbm>> -> memref<1x4x120xi32, #tpu.memory_space<hbm>>
      %dma_start3A_97 = tpu.memref_squeeze %dma_start3A_96 : memref<1x4x120xi32, #tpu.memory_space<hbm>> -> memref<4x120xi32, #tpu.memory_space<hbm>>
      tpu.enqueue_dma source(%dma_start3A_97 : memref<4x120xi32, #tpu.memory_space<hbm>>) target(%arg7 : memref<4x120xi32, #tpu.memory_space<vmem>>) target_semaphore(%run_scoped3A : memref<!tpu.dma_semaphore, #tpu.memory_space<semaphore_mem>>)
      %dma_wait3A_98 = arith.constant 0 : i32
      %dma_wait3A_99 = arith.constant 0 : i32
      %dma_wait3A_100 = tpu.memref_slice %arg3[%add3A_55, %dma_wait3A_98, %dma_wait3A_99] : memref<1344x4x120xi32, #tpu.memory_space<hbm>> -> memref<1x4x120xi32, #tpu.memory_space<hbm>>
      %dma_wait3A_101 = tpu.memref_squeeze %dma_wait3A_100 : memref<1x4x120xi32, #tpu.memory_space<hbm>> -> memref<4x120xi32, #tpu.memory_space<hbm>>
      %dma_wait3A_102 = arith.constant 0 : i32
      %dma_wait3A_103 = arith.constant 0 : i32
      %dma_wait3A_104 = tpu.memref_slice %arg3[%add3A_55, %dma_wait3A_102, %dma_wait3A_103] : memref<1344x4x120xi32, #tpu.memory_space<hbm>> -> memref<1x4x120xi32, #tpu.memory_space<hbm>>
      %dma_wait3A_105 = tpu.memref_squeeze %dma_wait3A_104 : memref<1x4x120xi32, #tpu.memory_space<hbm>> -> memref<4x120xi32, #tpu.memory_space<hbm>>
      tpu.wait_dma2 semaphore(%run_scoped3A : memref<!tpu.dma_semaphore, #tpu.memory_space<semaphore_mem>>) src(%dma_wait3A_105 : memref<4x120xi32, #tpu.memory_space<hbm>>) dst(%arg7 : memref<4x120xi32, #tpu.memory_space<vmem>>)
      tpu.yield
    }) : () -> ()
    %scan3A = arith.constant 0 : i32
    %scan3A_56 = arith.constant 0 : i32
    %scan3A_57 = arith.constant 42 : i32
    %scan3A_58 = arith.addi %scan3A_56, %scan3A_57 : i32
    %scan3A_59 = arith.constant 1 : i32
    scf.for %scan3A_91 = %scan3A_56 to %scan3A_58 step %scan3A_59  : i32 {
      %mul3A_92 = arith.constant 2 : i32
      %mul3A_93 = arith.muli %mul3A_92, %scan3A_91 : i32
      %dma_start3A = arith.constant 0 : i32
      %dma_start3A_94 = tpu.memref_slice %arg7[%arg0, %dma_start3A] : memref<4x120xi32, #tpu.memory_space<vmem>> -> memref<1x120xi32, #tpu.memory_space<vmem>>
      %dma_start3A_95 = tpu.memref_squeeze %dma_start3A_94 : memref<1x120xi32, #tpu.memory_space<vmem>> -> memref<120xi32, #tpu.memory_space<vmem>>
      %dma_start3A_96 = arith.constant 0 : i32
      %dma_start3A_97 = arith.constant 0 : i32
      %dma_start3A_98 = tpu.memref_slice %arg2[%dma_start3A_96, %dma_start3A_97] : memref<20000x128xf32, #tpu.memory_space<hbm>> -> memref<20000x128xf32, #tpu.memory_space<hbm>>
      tpu.enqueue_indirect_dma source(%dma_start3A_98 : memref<20000x128xf32, #tpu.memory_space<hbm>>) target(%arg9 : memref<120x128xf32, #tpu.memory_space<vmem>>) offsets(%dma_start3A_95 : memref<120xi32, #tpu.memory_space<vmem>>) semaphore(%arg14 : memref<!tpu.dma_semaphore, #tpu.memory_space<semaphore_mem>>)
      %gt3A = arith.constant 0 : i32
      %gt3A_99 = arith.cmpi sgt, %scan3A_91, %gt3A : i32
      %convert_element_type3A_100 = arith.extui %gt3A_99 : i1 to i32
      %cond3A_101 = arith.constant 0 : i32
      %cond3A_102 = arith.cmpi ne, %convert_element_type3A_100, %cond3A_101 : i32
      scf.if %cond3A_102 {
        %dma_wait3A_153 = arith.constant 2 : i32
        %dma_wait3A_154 = arith.constant 0 : i32
        %dma_wait3A_155 = tpu.memref_slice %arg8[%dma_wait3A_153, %dma_wait3A_154] : memref<4x120xi32, #tpu.memory_space<vmem>> -> memref<1x120xi32, #tpu.memory_space<vmem>>
        %dma_wait3A_156 = tpu.memref_squeeze %dma_wait3A_155 : memref<1x120xi32, #tpu.memory_space<vmem>> -> memref<120xi32, #tpu.memory_space<vmem>>
        %dma_wait3A_157 = arith.constant 0 : i32
        %dma_wait3A_158 = arith.constant 0 : i32
        %dma_wait3A_159 = tpu.memref_slice %arg12[%dma_wait3A_157, %dma_wait3A_158] : memref<10008x128xf32, #tpu.memory_space<vmem_shared>> -> memref<10008x128xf32, #tpu.memory_space<vmem_shared>>
        tpu.wait_indirect_dma semaphore(%arg16 : memref<!tpu.dma_semaphore, #tpu.memory_space<semaphore_mem>>) src(%arg10 : memref<120x128xf32, #tpu.memory_space<vmem>>) dst(%dma_wait3A_159 : memref<10008x128xf32, #tpu.memory_space<vmem_shared>>)
        %eq3A_160 = arith.constant 1 : i32
        %eq3A_161 = arith.cmpi eq, %arg0, %eq3A_160 : i32
        %convert_element_type3A_162 = arith.extui %eq3A_161 : i1 to i32
        %cond3A_163 = arith.constant 0 : i32
        %cond3A_164 = arith.cmpi ne, %convert_element_type3A_162, %cond3A_163 : i32
        scf.if %cond3A_164 {
          %dma_wait3A_165 = arith.constant 3 : i32
          %dma_wait3A_166 = arith.constant 0 : i32
          %dma_wait3A_167 = tpu.memref_slice %arg8[%dma_wait3A_165, %dma_wait3A_166] : memref<4x120xi32, #tpu.memory_space<vmem>> -> memref<1x120xi32, #tpu.memory_space<vmem>>
          %dma_wait3A_168 = tpu.memref_squeeze %dma_wait3A_167 : memref<1x120xi32, #tpu.memory_space<vmem>> -> memref<120xi32, #tpu.memory_space<vmem>>
          %dma_wait3A_169 = arith.constant 0 : i32
          %dma_wait3A_170 = tpu.memref_slice %arg13[%dma_wait3A_169] : memref<240128xf32, #tpu.memory_space<vmem_shared>> -> memref<240128xf32, #tpu.memory_space<vmem_shared>>
          tpu.wait_indirect_dma semaphore(%arg17 : memref<!tpu.dma_semaphore, #tpu.memory_space<semaphore_mem>>) src(%arg11 : memref<120xf32, #tpu.memory_space<vmem>>) dst(%dma_wait3A_170 : memref<240128xf32, #tpu.memory_space<vmem_shared>>)
        } else {
        }
      } else {
      }
      %add3A_103 = arith.constant 1 : i32
      %add3A_104 = arith.addi %mul3A_93, %add3A_103 : i32
      %add3A_105 = arith.addi %mul3A_54, %add3A_104 : i32
      "tpu.region"() ({
        %run_scoped3A = tpu.sem_alloc : memref<!tpu.dma_semaphore, #tpu.memory_space<semaphore_mem>>
        %dma_start3A_153 = arith.constant 0 : i32
        %dma_start3A_154 = arith.constant 0 : i32
        %dma_start3A_155 = tpu.memref_slice %arg3[%add3A_105, %dma_start3A_153, %dma_start3A_154] : memref<1344x4x120xi32, #tpu.memory_space<hbm>> -> memref<1x4x120xi32, #tpu.memory_space<hbm>>
        %dma_start3A_156 = tpu.memref_squeeze %dma_start3A_155 : memref<1x4x120xi32, #tpu.memory_space<hbm>> -> memref<4x120xi32, #tpu.memory_space<hbm>>
        %dma_start3A_157 = arith.constant 0 : i32
        %dma_start3A_158 = arith.constant 0 : i32
        %dma_start3A_159 = tpu.memref_slice %arg3[%add3A_105, %dma_start3A_157, %dma_start3A_158] : memref<1344x4x120xi32, #tpu.memory_space<hbm>> -> memref<1x4x120xi32, #tpu.memory_space<hbm>>
        %dma_start3A_160 = tpu.memref_squeeze %dma_start3A_159 : memref<1x4x120xi32, #tpu.memory_space<hbm>> -> memref<4x120xi32, #tpu.memory_space<hbm>>
        tpu.enqueue_dma source(%dma_start3A_160 : memref<4x120xi32, #tpu.memory_space<hbm>>) target(%arg8 : memref<4x120xi32, #tpu.memory_space<vmem>>) target_semaphore(%run_scoped3A : memref<!tpu.dma_semaphore, #tpu.memory_space<semaphore_mem>>)
        %dma_wait3A_161 = arith.constant 0 : i32
        %dma_wait3A_162 = arith.constant 0 : i32
        %dma_wait3A_163 = tpu.memref_slice %arg3[%add3A_105, %dma_wait3A_161, %dma_wait3A_162] : memref<1344x4x120xi32, #tpu.memory_space<hbm>> -> memref<1x4x120xi32, #tpu.memory_space<hbm>>
        %dma_wait3A_164 = tpu.memref_squeeze %dma_wait3A_163 : memref<1x4x120xi32, #tpu.memory_space<hbm>> -> memref<4x120xi32, #tpu.memory_space<hbm>>
        %dma_wait3A_165 = arith.constant 0 : i32
        %dma_wait3A_166 = arith.constant 0 : i32
        %dma_wait3A_167 = tpu.memref_slice %arg3[%add3A_105, %dma_wait3A_165, %dma_wait3A_166] : memref<1344x4x120xi32, #tpu.memory_space<hbm>> -> memref<1x4x120xi32, #tpu.memory_space<hbm>>
        %dma_wait3A_168 = tpu.memref_squeeze %dma_wait3A_167 : memref<1x4x120xi32, #tpu.memory_space<hbm>> -> memref<4x120xi32, #tpu.memory_space<hbm>>
        tpu.wait_dma2 semaphore(%run_scoped3A : memref<!tpu.dma_semaphore, #tpu.memory_space<semaphore_mem>>) src(%dma_wait3A_168 : memref<4x120xi32, #tpu.memory_space<hbm>>) dst(%arg8 : memref<4x120xi32, #tpu.memory_space<vmem>>)
        tpu.yield
      }) : () -> ()
      %dma_start3A_106 = arith.constant 0 : i32
      %dma_start3A_107 = tpu.memref_slice %arg8[%arg0, %dma_start3A_106] : memref<4x120xi32, #tpu.memory_space<vmem>> -> memref<1x120xi32, #tpu.memory_space<vmem>>
      %dma_start3A_108 = tpu.memref_squeeze %dma_start3A_107 : memref<1x120xi32, #tpu.memory_space<vmem>> -> memref<120xi32, #tpu.memory_space<vmem>>
      %dma_start3A_109 = arith.constant 0 : i32
      %dma_start3A_110 = arith.constant 0 : i32
      %dma_start3A_111 = tpu.memref_slice %arg2[%dma_start3A_109, %dma_start3A_110] : memref<20000x128xf32, #tpu.memory_space<hbm>> -> memref<20000x128xf32, #tpu.memory_space<hbm>>
      tpu.enqueue_indirect_dma source(%dma_start3A_111 : memref<20000x128xf32, #tpu.memory_space<hbm>>) target(%arg10 : memref<120x128xf32, #tpu.memory_space<vmem>>) offsets(%dma_start3A_108 : memref<120xi32, #tpu.memory_space<vmem>>) semaphore(%arg14 : memref<!tpu.dma_semaphore, #tpu.memory_space<semaphore_mem>>)
      %dma_wait3A_112 = arith.constant 0 : i32
      %dma_wait3A_113 = tpu.memref_slice %arg7[%arg0, %dma_wait3A_112] : memref<4x120xi32, #tpu.memory_space<vmem>> -> memref<1x120xi32, #tpu.memory_space<vmem>>
      %dma_wait3A_114 = tpu.memref_squeeze %dma_wait3A_113 : memref<1x120xi32, #tpu.memory_space<vmem>> -> memref<120xi32, #tpu.memory_space<vmem>>
      %dma_wait3A_115 = arith.constant 0 : i32
      %dma_wait3A_116 = arith.constant 0 : i32
      %dma_wait3A_117 = tpu.memref_slice %arg2[%dma_wait3A_115, %dma_wait3A_116] : memref<20000x128xf32, #tpu.memory_space<hbm>> -> memref<20000x128xf32, #tpu.memory_space<hbm>>
      tpu.wait_indirect_dma semaphore(%arg14 : memref<!tpu.dma_semaphore, #tpu.memory_space<semaphore_mem>>) src(%dma_wait3A_117 : memref<20000x128xf32, #tpu.memory_space<hbm>>) dst(%arg9 : memref<120x128xf32, #tpu.memory_space<vmem>>)
      %dma_start3A_118 = arith.constant 2 : i32
      %dma_start3A_119 = arith.constant 0 : i32
      %dma_start3A_120 = tpu.memref_slice %arg7[%dma_start3A_118, %dma_start3A_119] : memref<4x120xi32, #tpu.memory_space<vmem>> -> memref<1x120xi32, #tpu.memory_space<vmem>>
      %dma_start3A_121 = tpu.memref_squeeze %dma_start3A_120 : memref<1x120xi32, #tpu.memory_space<vmem>> -> memref<120xi32, #tpu.memory_space<vmem>>
      %dma_start3A_122 = arith.constant 0 : i32
      %dma_start3A_123 = arith.constant 0 : i32
      %dma_start3A_124 = tpu.memref_slice %arg12[%dma_start3A_122, %dma_start3A_123] : memref<10008x128xf32, #tpu.memory_space<vmem_shared>> -> memref<10008x128xf32, #tpu.memory_space<vmem_shared>>
      tpu.enqueue_indirect_dma source(%arg9 : memref<120x128xf32, #tpu.memory_space<vmem>>) target(%dma_start3A_124 : memref<10008x128xf32, #tpu.memory_space<vmem_shared>>) offsets(%dma_start3A_121 : memref<120xi32, #tpu.memory_space<vmem>>) semaphore(%arg15 : memref<!tpu.dma_semaphore, #tpu.memory_space<semaphore_mem>>) {add = true}
      %eq3A_125 = arith.constant 0 : i32
      %eq3A_126 = arith.cmpi eq, %arg0, %eq3A_125 : i32
      %convert_element_type3A_127 = arith.extui %eq3A_126 : i1 to i32
      %cond3A_128 = arith.constant 0 : i32
      %cond3A_129 = arith.cmpi ne, %convert_element_type3A_127, %cond3A_128 : i32
      scf.if %cond3A_129 {
        %dma_start3A_153 = arith.constant 3 : i32
        %dma_start3A_154 = arith.constant 0 : i32
        %dma_start3A_155 = tpu.memref_slice %arg7[%dma_start3A_153, %dma_start3A_154] : memref<4x120xi32, #tpu.memory_space<vmem>> -> memref<1x120xi32, #tpu.memory_space<vmem>>
        %dma_start3A_156 = tpu.memref_squeeze %dma_start3A_155 : memref<1x120xi32, #tpu.memory_space<vmem>> -> memref<120xi32, #tpu.memory_space<vmem>>
        %dma_start3A_157 = arith.constant 0 : i32
        %dma_start3A_158 = tpu.memref_slice %arg13[%dma_start3A_157] : memref<240128xf32, #tpu.memory_space<vmem_shared>> -> memref<240128xf32, #tpu.memory_space<vmem_shared>>
        tpu.enqueue_indirect_dma source(%arg11 : memref<120xf32, #tpu.memory_space<vmem>>) target(%dma_start3A_158 : memref<240128xf32, #tpu.memory_space<vmem_shared>>) offsets(%dma_start3A_156 : memref<120xi32, #tpu.memory_space<vmem>>) semaphore(%arg17 : memref<!tpu.dma_semaphore, #tpu.memory_space<semaphore_mem>>) {add = true}
      } else {
      }
      %lt3A_130 = arith.constant 41 : i32
      %lt3A_131 = arith.cmpi slt, %scan3A_91, %lt3A_130 : i32
      %convert_element_type3A_132 = arith.extui %lt3A_131 : i1 to i32
      %cond3A_133 = arith.constant 0 : i32
      %cond3A_134 = arith.cmpi ne, %convert_element_type3A_132, %cond3A_133 : i32
      scf.if %cond3A_134 {
        %dma_wait3A_153 = arith.constant 2 : i32
        %dma_wait3A_154 = arith.constant 0 : i32
        %dma_wait3A_155 = tpu.memref_slice %arg7[%dma_wait3A_153, %dma_wait3A_154] : memref<4x120xi32, #tpu.memory_space<vmem>> -> memref<1x120xi32, #tpu.memory_space<vmem>>
        %dma_wait3A_156 = tpu.memref_squeeze %dma_wait3A_155 : memref<1x120xi32, #tpu.memory_space<vmem>> -> memref<120xi32, #tpu.memory_space<vmem>>
        %dma_wait3A_157 = arith.constant 0 : i32
        %dma_wait3A_158 = arith.constant 0 : i32
        %dma_wait3A_159 = tpu.memref_slice %arg12[%dma_wait3A_157, %dma_wait3A_158] : memref<10008x128xf32, #tpu.memory_space<vmem_shared>> -> memref<10008x128xf32, #tpu.memory_space<vmem_shared>>
        tpu.wait_indirect_dma semaphore(%arg15 : memref<!tpu.dma_semaphore, #tpu.memory_space<semaphore_mem>>) src(%arg9 : memref<120x128xf32, #tpu.memory_space<vmem>>) dst(%dma_wait3A_159 : memref<10008x128xf32, #tpu.memory_space<vmem_shared>>)
        %eq3A_160 = arith.constant 0 : i32
        %eq3A_161 = arith.cmpi eq, %arg0, %eq3A_160 : i32
        %convert_element_type3A_162 = arith.extui %eq3A_161 : i1 to i32
        %cond3A_163 = arith.constant 0 : i32
        %cond3A_164 = arith.cmpi ne, %convert_element_type3A_162, %cond3A_163 : i32
        scf.if %cond3A_164 {
          %dma_wait3A_168 = arith.constant 3 : i32
          %dma_wait3A_169 = arith.constant 0 : i32
          %dma_wait3A_170 = tpu.memref_slice %arg7[%dma_wait3A_168, %dma_wait3A_169] : memref<4x120xi32, #tpu.memory_space<vmem>> -> memref<1x120xi32, #tpu.memory_space<vmem>>
          %dma_wait3A_171 = tpu.memref_squeeze %dma_wait3A_170 : memref<1x120xi32, #tpu.memory_space<vmem>> -> memref<120xi32, #tpu.memory_space<vmem>>
          %dma_wait3A_172 = arith.constant 0 : i32
          %dma_wait3A_173 = tpu.memref_slice %arg13[%dma_wait3A_172] : memref<240128xf32, #tpu.memory_space<vmem_shared>> -> memref<240128xf32, #tpu.memory_space<vmem_shared>>
          tpu.wait_indirect_dma semaphore(%arg17 : memref<!tpu.dma_semaphore, #tpu.memory_space<semaphore_mem>>) src(%arg11 : memref<120xf32, #tpu.memory_space<vmem>>) dst(%dma_wait3A_173 : memref<240128xf32, #tpu.memory_space<vmem_shared>>)
        } else {
        }
        %add3A_165 = arith.constant 2 : i32
        %add3A_166 = arith.addi %mul3A_93, %add3A_165 : i32
        %add3A_167 = arith.addi %mul3A_54, %add3A_166 : i32
        "tpu.region"() ({
          %run_scoped3A = tpu.sem_alloc : memref<!tpu.dma_semaphore, #tpu.memory_space<semaphore_mem>>
          %dma_start3A_168 = arith.constant 0 : i32
          %dma_start3A_169 = arith.constant 0 : i32
          %dma_start3A_170 = tpu.memref_slice %arg3[%add3A_167, %dma_start3A_168, %dma_start3A_169] : memref<1344x4x120xi32, #tpu.memory_space<hbm>> -> memref<1x4x120xi32, #tpu.memory_space<hbm>>
          %dma_start3A_171 = tpu.memref_squeeze %dma_start3A_170 : memref<1x4x120xi32, #tpu.memory_space<hbm>> -> memref<4x120xi32, #tpu.memory_space<hbm>>
          %dma_start3A_172 = arith.constant 0 : i32
          %dma_start3A_173 = arith.constant 0 : i32
          %dma_start3A_174 = tpu.memref_slice %arg3[%add3A_167, %dma_start3A_172, %dma_start3A_173] : memref<1344x4x120xi32, #tpu.memory_space<hbm>> -> memref<1x4x120xi32, #tpu.memory_space<hbm>>
          %dma_start3A_175 = tpu.memref_squeeze %dma_start3A_174 : memref<1x4x120xi32, #tpu.memory_space<hbm>> -> memref<4x120xi32, #tpu.memory_space<hbm>>
          tpu.enqueue_dma source(%dma_start3A_175 : memref<4x120xi32, #tpu.memory_space<hbm>>) target(%arg7 : memref<4x120xi32, #tpu.memory_space<vmem>>) target_semaphore(%run_scoped3A : memref<!tpu.dma_semaphore, #tpu.memory_space<semaphore_mem>>)
          %dma_wait3A_176 = arith.constant 0 : i32
          %dma_wait3A_177 = arith.constant 0 : i32
          %dma_wait3A_178 = tpu.memref_slice %arg3[%add3A_167, %dma_wait3A_176, %dma_wait3A_177] : memref<1344x4x120xi32, #tpu.memory_space<hbm>> -> memref<1x4x120xi32, #tpu.memory_space<hbm>>
          %dma_wait3A_179 = tpu.memref_squeeze %dma_wait3A_178 : memref<1x4x120xi32, #tpu.memory_space<hbm>> -> memref<4x120xi32, #tpu.memory_space<hbm>>
          %dma_wait3A_180 = arith.constant 0 : i32
          %dma_wait3A_181 = arith.constant 0 : i32
          %dma_wait3A_182 = tpu.memref_slice %arg3[%add3A_167, %dma_wait3A_180, %dma_wait3A_181] : memref<1344x4x120xi32, #tpu.memory_space<hbm>> -> memref<1x4x120xi32, #tpu.memory_space<hbm>>
          %dma_wait3A_183 = tpu.memref_squeeze %dma_wait3A_182 : memref<1x4x120xi32, #tpu.memory_space<hbm>> -> memref<4x120xi32, #tpu.memory_space<hbm>>
          tpu.wait_dma2 semaphore(%run_scoped3A : memref<!tpu.dma_semaphore, #tpu.memory_space<semaphore_mem>>) src(%dma_wait3A_183 : memref<4x120xi32, #tpu.memory_space<hbm>>) dst(%arg7 : memref<4x120xi32, #tpu.memory_space<vmem>>)
          tpu.yield
        }) : () -> ()
      } else {
      }
      %dma_wait3A_135 = arith.constant 0 : i32
      %dma_wait3A_136 = tpu.memref_slice %arg8[%arg0, %dma_wait3A_135] : memref<4x120xi32, #tpu.memory_space<vmem>> -> memref<1x120xi32, #tpu.memory_space<vmem>>
      %dma_wait3A_137 = tpu.memref_squeeze %dma_wait3A_136 : memref<1x120xi32, #tpu.memory_space<vmem>> -> memref<120xi32, #tpu.memory_space<vmem>>
      %dma_wait3A_138 = arith.constant 0 : i32
      %dma_wait3A_139 = arith.constant 0 : i32
      %dma_wait3A_140 = tpu.memref_slice %arg2[%dma_wait3A_138, %dma_wait3A_139] : memref<20000x128xf32, #tpu.memory_space<hbm>> -> memref<20000x128xf32, #tpu.memory_space<hbm>>
      tpu.wait_indirect_dma semaphore(%arg14 : memref<!tpu.dma_semaphore, #tpu.memory_space<semaphore_mem>>) src(%dma_wait3A_140 : memref<20000x128xf32, #tpu.memory_space<hbm>>) dst(%arg10 : memref<120x128xf32, #tpu.memory_space<vmem>>)
      %dma_start3A_141 = arith.constant 2 : i32
      %dma_start3A_142 = arith.constant 0 : i32
      %dma_start3A_143 = tpu.memref_slice %arg8[%dma_start3A_141, %dma_start3A_142] : memref<4x120xi32, #tpu.memory_space<vmem>> -> memref<1x120xi32, #tpu.memory_space<vmem>>
      %dma_start3A_144 = tpu.memref_squeeze %dma_start3A_143 : memref<1x120xi32, #tpu.memory_space<vmem>> -> memref<120xi32, #tpu.memory_space<vmem>>
      %dma_start3A_145 = arith.constant 0 : i32
      %dma_start3A_146 = arith.constant 0 : i32
      %dma_start3A_147 = tpu.memref_slice %arg12[%dma_start3A_145, %dma_start3A_146] : memref<10008x128xf32, #tpu.memory_space<vmem_shared>> -> memref<10008x128xf32, #tpu.memory_space<vmem_shared>>
      tpu.enqueue_indirect_dma source(%arg10 : memref<120x128xf32, #tpu.memory_space<vmem>>) target(%dma_start3A_147 : memref<10008x128xf32, #tpu.memory_space<vmem_shared>>) offsets(%dma_start3A_144 : memref<120xi32, #tpu.memory_space<vmem>>) semaphore(%arg16 : memref<!tpu.dma_semaphore, #tpu.memory_space<semaphore_mem>>) {add = true}
      %eq3A_148 = arith.constant 1 : i32
      %eq3A_149 = arith.cmpi eq, %arg0, %eq3A_148 : i32
      %convert_element_type3A_150 = arith.extui %eq3A_149 : i1 to i32
      %cond3A_151 = arith.constant 0 : i32
      %cond3A_152 = arith.cmpi ne, %convert_element_type3A_150, %cond3A_151 : i32
      scf.if %cond3A_152 {
        %dma_start3A_153 = arith.constant 3 : i32
        %dma_start3A_154 = arith.constant 0 : i32
        %dma_start3A_155 = tpu.memref_slice %arg8[%dma_start3A_153, %dma_start3A_154] : memref<4x120xi32, #tpu.memory_space<vmem>> -> memref<1x120xi32, #tpu.memory_space<vmem>>
        %dma_start3A_156 = tpu.memref_squeeze %dma_start3A_155 : memref<1x120xi32, #tpu.memory_space<vmem>> -> memref<120xi32, #tpu.memory_space<vmem>>
        %dma_start3A_157 = arith.constant 0 : i32
        %dma_start3A_158 = tpu.memref_slice %arg13[%dma_start3A_157] : memref<240128xf32, #tpu.memory_space<vmem_shared>> -> memref<240128xf32, #tpu.memory_space<vmem_shared>>
        tpu.enqueue_indirect_dma source(%arg11 : memref<120xf32, #tpu.memory_space<vmem>>) target(%dma_start3A_158 : memref<240128xf32, #tpu.memory_space<vmem_shared>>) offsets(%dma_start3A_156 : memref<120xi32, #tpu.memory_space<vmem>>) semaphore(%arg17 : memref<!tpu.dma_semaphore, #tpu.memory_space<semaphore_mem>>) {add = true}
      } else {
      }
    }
    %scan3A_60 = arith.constant 42 : i32
    %dma_wait3A = arith.constant 2 : i32
    %dma_wait3A_61 = arith.constant 0 : i32
    %dma_wait3A_62 = tpu.memref_slice %arg7[%dma_wait3A, %dma_wait3A_61] : memref<4x120xi32, #tpu.memory_space<vmem>> -> memref<1x120xi32, #tpu.memory_space<vmem>>
    %dma_wait3A_63 = tpu.memref_squeeze %dma_wait3A_62 : memref<1x120xi32, #tpu.memory_space<vmem>> -> memref<120xi32, #tpu.memory_space<vmem>>
    %dma_wait3A_64 = arith.constant 0 : i32
    %dma_wait3A_65 = arith.constant 0 : i32
    %dma_wait3A_66 = tpu.memref_slice %arg12[%dma_wait3A_64, %dma_wait3A_65] : memref<10008x128xf32, #tpu.memory_space<vmem_shared>> -> memref<10008x128xf32, #tpu.memory_space<vmem_shared>>
    tpu.wait_indirect_dma semaphore(%arg15 : memref<!tpu.dma_semaphore, #tpu.memory_space<semaphore_mem>>) src(%arg9 : memref<120x128xf32, #tpu.memory_space<vmem>>) dst(%dma_wait3A_66 : memref<10008x128xf32, #tpu.memory_space<vmem_shared>>)
    %dma_wait3A_67 = arith.constant 2 : i32
    %dma_wait3A_68 = arith.constant 0 : i32
    %dma_wait3A_69 = tpu.memref_slice %arg8[%dma_wait3A_67, %dma_wait3A_68] : memref<4x120xi32, #tpu.memory_space<vmem>> -> memref<1x120xi32, #tpu.memory_space<vmem>>
    %dma_wait3A_70 = tpu.memref_squeeze %dma_wait3A_69 : memref<1x120xi32, #tpu.memory_space<vmem>> -> memref<120xi32, #tpu.memory_space<vmem>>
    %dma_wait3A_71 = arith.constant 0 : i32
    %dma_wait3A_72 = arith.constant 0 : i32
    %dma_wait3A_73 = tpu.memref_slice %arg12[%dma_wait3A_71, %dma_wait3A_72] : memref<10008x128xf32, #tpu.memory_space<vmem_shared>> -> memref<10008x128xf32, #tpu.memory_space<vmem_shared>>
    tpu.wait_indirect_dma semaphore(%arg16 : memref<!tpu.dma_semaphore, #tpu.memory_space<semaphore_mem>>) src(%arg10 : memref<120x128xf32, #tpu.memory_space<vmem>>) dst(%dma_wait3A_73 : memref<10008x128xf32, #tpu.memory_space<vmem_shared>>)
    %dma_wait3A_74 = arith.constant 3 : i32
    %dma_wait3A_75 = arith.constant 0 : i32
    %dma_wait3A_76 = tpu.memref_slice %arg7[%dma_wait3A_74, %dma_wait3A_75] : memref<4x120xi32, #tpu.memory_space<vmem>> -> memref<1x120xi32, #tpu.memory_space<vmem>>
    %dma_wait3A_77 = tpu.memref_squeeze %dma_wait3A_76 : memref<1x120xi32, #tpu.memory_space<vmem>> -> memref<120xi32, #tpu.memory_space<vmem>>
    %dma_wait3A_78 = arith.constant 0 : i32
    %dma_wait3A_79 = tpu.memref_slice %arg13[%dma_wait3A_78] : memref<240128xf32, #tpu.memory_space<vmem_shared>> -> memref<240128xf32, #tpu.memory_space<vmem_shared>>
    tpu.wait_indirect_dma semaphore(%arg17 : memref<!tpu.dma_semaphore, #tpu.memory_space<semaphore_mem>>) src(%arg11 : memref<120xf32, #tpu.memory_space<vmem>>) dst(%dma_wait3A_79 : memref<240128xf32, #tpu.memory_space<vmem_shared>>)
    %barrier3A_80 = arith.constant 0 : index
    tpu.barrier barrier_id(%barrier3A_80)
    %lt3A_81 = arith.constant 15 : i32
    %lt3A_82 = arith.cmpi slt, %arg1, %lt3A_81 : i32
    %convert_element_type3A_83 = arith.extui %lt3A_82 : i1 to i32
    %cond3A_84 = arith.constant 0 : i32
    %cond3A_85 = arith.cmpi ne, %convert_element_type3A_83, %cond3A_84 : i32
    scf.if %cond3A_85 {
      %mul3A_91 = arith.constant 632 : i32
      %mul3A_92 = arith.muli %arg1, %mul3A_91 : i32
      %multiple_of3A = tpu.assume_multiple %mul3A_92, 8 : i32
      %mul3A_93 = arith.constant 15104 : i32
      %mul3A_94 = arith.muli %arg1, %mul3A_93 : i32
      %multiple_of3A_95 = tpu.assume_multiple %mul3A_94, 128 : i32
      %mul3A_96 = arith.constant 632 : i32
      %mul3A_97 = arith.muli %arg1, %mul3A_96 : i32
      %add3A_98 = arith.addi %mul3A_0, %mul3A_97 : i32
      %multiple_of3A_99 = tpu.assume_multiple %add3A_98, 8 : i32
      "tpu.region"() ({
        %run_scoped3A = tpu.sem_alloc : memref<!tpu.dma_semaphore, #tpu.memory_space<semaphore_mem>>
        %dma_start3A = arith.constant 0 : i32
        %dma_start3A_106 = tpu.memref_slice %arg5[%multiple_of3A_99, %dma_start3A] : memref<20000x128xf32, #tpu.memory_space<hbm>> -> memref<632x128xf32, #tpu.memory_space<hbm>>
        %dma_start3A_107 = arith.constant 0 : i32
        %dma_start3A_108 = tpu.memref_slice %arg12[%multiple_of3A, %dma_start3A_107] : memref<10008x128xf32, #tpu.memory_space<vmem_shared>> -> memref<632x128xf32, #tpu.memory_space<vmem_shared>>
        tpu.enqueue_dma source(%dma_start3A_108 : memref<632x128xf32, #tpu.memory_space<vmem_shared>>) target(%dma_start3A_106 : memref<632x128xf32, #tpu.memory_space<hbm>>) target_semaphore(%run_scoped3A : memref<!tpu.dma_semaphore, #tpu.memory_space<semaphore_mem>>)
        %dma_wait3A_109 = arith.constant 0 : i32
        %dma_wait3A_110 = tpu.memref_slice %arg5[%multiple_of3A_99, %dma_wait3A_109] : memref<20000x128xf32, #tpu.memory_space<hbm>> -> memref<632x128xf32, #tpu.memory_space<hbm>>
        %dma_wait3A_111 = arith.constant 0 : i32
        %dma_wait3A_112 = tpu.memref_slice %arg12[%multiple_of3A, %dma_wait3A_111] : memref<10008x128xf32, #tpu.memory_space<vmem_shared>> -> memref<632x128xf32, #tpu.memory_space<vmem_shared>>
        tpu.wait_dma2 semaphore(%run_scoped3A : memref<!tpu.dma_semaphore, #tpu.memory_space<semaphore_mem>>) src(%dma_wait3A_112 : memref<632x128xf32, #tpu.memory_space<vmem_shared>>) dst(%dma_wait3A_110 : memref<632x128xf32, #tpu.memory_space<hbm>>)
        tpu.yield
      }) : () -> ()
      %mul3A_100 = arith.constant 240000 : i32
      %mul3A_101 = arith.muli %arg0, %mul3A_100 : i32
      %mul3A_102 = arith.constant 15104 : i32
      %mul3A_103 = arith.muli %arg1, %mul3A_102 : i32
      %add3A_104 = arith.addi %mul3A_101, %mul3A_103 : i32
      %multiple_of3A_105 = tpu.assume_multiple %add3A_104, 128 : i32
      "tpu.region"() ({
        %run_scoped3A = tpu.sem_alloc : memref<!tpu.dma_semaphore, #tpu.memory_space<semaphore_mem>>
        %dma_start3A = tpu.memref_slice %arg6[%multiple_of3A_105] : memref<480000xf32, #tpu.memory_space<hbm>> -> memref<15104xf32, #tpu.memory_space<hbm>>
        %dma_start3A_106 = tpu.memref_slice %arg13[%multiple_of3A_95] : memref<240128xf32, #tpu.memory_space<vmem_shared>> -> memref<15104xf32, #tpu.memory_space<vmem_shared>>
        tpu.enqueue_dma source(%dma_start3A_106 : memref<15104xf32, #tpu.memory_space<vmem_shared>>) target(%dma_start3A : memref<15104xf32, #tpu.memory_space<hbm>>) target_semaphore(%run_scoped3A : memref<!tpu.dma_semaphore, #tpu.memory_space<semaphore_mem>>)
        %dma_wait3A_107 = tpu.memref_slice %arg6[%multiple_of3A_105] : memref<480000xf32, #tpu.memory_space<hbm>> -> memref<15104xf32, #tpu.memory_space<hbm>>
        %dma_wait3A_108 = tpu.memref_slice %arg13[%multiple_of3A_95] : memref<240128xf32, #tpu.memory_space<vmem_shared>> -> memref<15104xf32, #tpu.memory_space<vmem_shared>>
        tpu.wait_dma2 semaphore(%run_scoped3A : memref<!tpu.dma_semaphore, #tpu.memory_space<semaphore_mem>>) src(%dma_wait3A_108 : memref<15104xf32, #tpu.memory_space<vmem_shared>>) dst(%dma_wait3A_107 : memref<15104xf32, #tpu.memory_space<hbm>>)
        tpu.yield
      }) : () -> ()
    } else {
    }
    %eq3A_86 = arith.constant 15 : i32
    %eq3A_87 = arith.cmpi eq, %arg1, %eq3A_86 : i32
    %convert_element_type3A_88 = arith.extui %eq3A_87 : i1 to i32
    %cond3A_89 = arith.constant 0 : i32
    %cond3A_90 = arith.cmpi ne, %convert_element_type3A_88, %cond3A_89 : i32
    scf.if %cond3A_90 {
      %mul3A_91 = arith.constant 632 : i32
      %mul3A_92 = arith.muli %arg1, %mul3A_91 : i32
      %multiple_of3A = tpu.assume_multiple %mul3A_92, 8 : i32
      %mul3A_93 = arith.constant 15104 : i32
      %mul3A_94 = arith.muli %arg1, %mul3A_93 : i32
      %multiple_of3A_95 = tpu.assume_multiple %mul3A_94, 128 : i32
      %mul3A_96 = arith.constant 632 : i32
      %mul3A_97 = arith.muli %arg1, %mul3A_96 : i32
      %add3A_98 = arith.addi %mul3A_0, %mul3A_97 : i32
      %multiple_of3A_99 = tpu.assume_multiple %add3A_98, 8 : i32
      "tpu.region"() ({
        %run_scoped3A = tpu.sem_alloc : memref<!tpu.dma_semaphore, #tpu.memory_space<semaphore_mem>>
        %dma_start3A = arith.constant 0 : i32
        %dma_start3A_106 = tpu.memref_slice %arg5[%multiple_of3A_99, %dma_start3A] : memref<20000x128xf32, #tpu.memory_space<hbm>> -> memref<520x128xf32, #tpu.memory_space<hbm>>
        %dma_start3A_107 = arith.constant 0 : i32
        %dma_start3A_108 = tpu.memref_slice %arg12[%multiple_of3A, %dma_start3A_107] : memref<10008x128xf32, #tpu.memory_space<vmem_shared>> -> memref<520x128xf32, #tpu.memory_space<vmem_shared>>
        tpu.enqueue_dma source(%dma_start3A_108 : memref<520x128xf32, #tpu.memory_space<vmem_shared>>) target(%dma_start3A_106 : memref<520x128xf32, #tpu.memory_space<hbm>>) target_semaphore(%run_scoped3A : memref<!tpu.dma_semaphore, #tpu.memory_space<semaphore_mem>>)
        %dma_wait3A_109 = arith.constant 0 : i32
        %dma_wait3A_110 = tpu.memref_slice %arg5[%multiple_of3A_99, %dma_wait3A_109] : memref<20000x128xf32, #tpu.memory_space<hbm>> -> memref<520x128xf32, #tpu.memory_space<hbm>>
        %dma_wait3A_111 = arith.constant 0 : i32
        %dma_wait3A_112 = tpu.memref_slice %arg12[%multiple_of3A, %dma_wait3A_111] : memref<10008x128xf32, #tpu.memory_space<vmem_shared>> -> memref<520x128xf32, #tpu.memory_space<vmem_shared>>
        tpu.wait_dma2 semaphore(%run_scoped3A : memref<!tpu.dma_semaphore, #tpu.memory_space<semaphore_mem>>) src(%dma_wait3A_112 : memref<520x128xf32, #tpu.memory_space<vmem_shared>>) dst(%dma_wait3A_110 : memref<520x128xf32, #tpu.memory_space<hbm>>)
        tpu.yield
      }) : () -> ()
      %mul3A_100 = arith.constant 240000 : i32
      %mul3A_101 = arith.muli %arg0, %mul3A_100 : i32
      %mul3A_102 = arith.constant 15104 : i32
      %mul3A_103 = arith.muli %arg1, %mul3A_102 : i32
      %add3A_104 = arith.addi %mul3A_101, %mul3A_103 : i32
      %multiple_of3A_105 = tpu.assume_multiple %add3A_104, 128 : i32
      "tpu.region"() ({
        %run_scoped3A = tpu.sem_alloc : memref<!tpu.dma_semaphore, #tpu.memory_space<semaphore_mem>>
        %dma_start3A = tpu.memref_slice %arg6[%multiple_of3A_105] : memref<480000xf32, #tpu.memory_space<hbm>> -> memref<13440xf32, #tpu.memory_space<hbm>>
        %dma_start3A_106 = tpu.memref_slice %arg13[%multiple_of3A_95] : memref<240128xf32, #tpu.memory_space<vmem_shared>> -> memref<13440xf32, #tpu.memory_space<vmem_shared>>
        tpu.enqueue_dma source(%dma_start3A_106 : memref<13440xf32, #tpu.memory_space<vmem_shared>>) target(%dma_start3A : memref<13440xf32, #tpu.memory_space<hbm>>) target_semaphore(%run_scoped3A : memref<!tpu.dma_semaphore, #tpu.memory_space<semaphore_mem>>)
        %dma_wait3A_107 = tpu.memref_slice %arg6[%multiple_of3A_105] : memref<480000xf32, #tpu.memory_space<hbm>> -> memref<13440xf32, #tpu.memory_space<hbm>>
        %dma_wait3A_108 = tpu.memref_slice %arg13[%multiple_of3A_95] : memref<240128xf32, #tpu.memory_space<vmem_shared>> -> memref<13440xf32, #tpu.memory_space<vmem_shared>>
        tpu.wait_dma2 semaphore(%run_scoped3A : memref<!tpu.dma_semaphore, #tpu.memory_space<semaphore_mem>>) src(%dma_wait3A_108 : memref<13440xf32, #tpu.memory_space<vmem_shared>>) dst(%dma_wait3A_107 : memref<13440xf32, #tpu.memory_space<hbm>>)
        tpu.yield
      }) : () -> ()
    } else {
    }
    return
  }
}

module attributes {stable_mosaic.version = 14 : i64} {
  func.func @_encode_body(%arg0: i32, %arg1: i32, %arg2: memref<1000x256xf32, #tpu.memory_space<vmem>>, %arg3: memref<128x256xf32, #tpu.memory_space<vmem>>, %arg4: memref<1x1xf32, #tpu.memory_space<smem>>, %arg5: memref<1000x128xf32, #tpu.memory_space<vmem>>) attributes {dimension_semantics = [#tpu.dimension_semantics<arbitrary>, #tpu.dimension_semantics<arbitrary>], iteration_bounds = array<i64: 2, 10>, scalar_prefetch = 0 : i64, scratch_operands = 0 : i64, tpu.core_type = #tpu.core_type<tc>, window_params = [{transform_indices = @transform_0, window_bounds = array<i64: 1000, 256>}, {transform_indices = @transform_1, window_bounds = array<i64: 128, 256>}, {transform_indices = @transform_2, window_bounds = array<i64: 1, 1>}, {transform_indices = @transform_3, window_bounds = array<i64: 1000, 128>}]} {
    %get3A = arith.constant 0 : index
    %get3A_0 = arith.constant 0 : index
    %get3A_1 = vector.load %arg2[%get3A, %get3A_0] : memref<1000x256xf32, #tpu.memory_space<vmem>>, vector<1000x256xf32>
    %ge3A = arith.constant 0.000000e+00 : f32
    %ge3A_2 = vector.broadcast %ge3A : f32 to vector<1000x256xf32>
    %ge3A_3 = arith.cmpf oge, %get3A_1, %ge3A_2 : vector<1000x256xf32>
    %get3A_4 = arith.constant 0 : index
    %get3A_5 = arith.constant 0 : index
    %get3A_6 = memref.load %arg4[%get3A_4, %get3A_5] : memref<1x1xf32, #tpu.memory_space<smem>>
    %mul3A = vector.broadcast %get3A_6 : f32 to vector<1000x256xf32>
    %mul3A_7 = arith.mulf %mul3A, %get3A_1 : vector<1000x256xf32>
    %select_n3A = arith.select %ge3A_3, %get3A_1, %mul3A_7 : vector<1000x256xi1>, vector<1000x256xf32>
    %get3A_8 = arith.constant 0 : index
    %get3A_9 = arith.constant 0 : index
    %get3A_10 = vector.load %arg3[%get3A_8, %get3A_9] : memref<128x256xf32, #tpu.memory_space<vmem>>, vector<128x256xf32>
    %dot_general3A = arith.constant dense<0.000000e+00> : vector<1000x128xf32>
    %dot_general3A_11 = tpu.matmul %select_n3A, %get3A_10, %dot_general3A {dimension_numbers = #tpu.dot_dimension_numbers<[1], [1], [0], [0], [0, 0, 1, 0], [], []>, transpose_lhs_hint = false} : vector<1000x256xf32>, vector<128x256xf32>, vector<1000x128xf32> -> vector<1000x128xf32>
    %swap3A = arith.constant 0 : index
    %swap3A_12 = arith.constant 0 : index
    %swap3A_13 = vector.load %arg5[%swap3A, %swap3A_12] : memref<1000x128xf32, #tpu.memory_space<vmem>>, vector<1000x128xf32>
    tpu.vector_store %arg5[%swap3A, %swap3A_12], %dot_general3A_11 {strides = array<i32>} : memref<1000x128xf32, #tpu.memory_space<vmem>>, vector<1000x128xf32>,
    return
  }
  func.func @transform_0(%arg0: i32, %arg1: i32) -> (i32, i32) {
    %c0_i32 = arith.constant 0 : i32
    %c0_i32_0 = arith.constant 0 : i32
    return %arg1, %c0_i32 : i32, i32
  }
  func.func @transform_1(%arg0: i32, %arg1: i32) -> (i32, i32) {
    %c0_i32 = arith.constant 0 : i32
    %c0_i32_0 = arith.constant 0 : i32
    return %arg0, %c0_i32 : i32, i32
  }
  func.func @transform_2(%arg0: i32, %arg1: i32) -> (i32, i32) {
    %c0_i32 = arith.constant 0 : i32
    %c0_i32_0 = arith.constant 0 : i32
    %c0_i32_1 = arith.constant 0 : i32
    return %c0_i32, %c0_i32_0 : i32, i32
  }
  func.func @transform_3(%arg0: i32, %arg1: i32) -> (i32, i32) {
    %mul3A = arith.constant 10 : i32
    %mul3A_0 = arith.muli %arg0, %mul3A : i32
    %add3A = arith.addi %mul3A_0, %arg1 : i32
    %c0_i32 = arith.constant 0 : i32
    %c0_i32_1 = arith.constant 0 : i32
    return %add3A, %c0_i32 : i32, i32
  }
}

module attributes {stable_mosaic.version = 14 : i64} {
  func.func @_mlp_body(%arg0: i32, %arg1: memref<1000x128xf32, #tpu.memory_space<vmem>>, %arg2: memref<1000x128xf32, #tpu.memory_space<vmem>>, %arg3: memref<1000x24xf32, #tpu.memory_space<vmem>>, %arg4: memref<1000x24xf32, #tpu.memory_space<vmem>>, %arg5: memref<24x256xf32, #tpu.memory_space<vmem>>, %arg6: memref<1x256xf32, #tpu.memory_space<vmem>>, %arg7: memref<512x256xf32, #tpu.memory_space<vmem>>, %arg8: memref<1x512xf32, #tpu.memory_space<vmem>>, %arg9: memref<256x512xf32, #tpu.memory_space<vmem>>, %arg10: memref<1x256xf32, #tpu.memory_space<vmem>>, %arg11: memref<1000x256xf32, #tpu.memory_space<vmem>>) attributes {dimension_semantics = [#tpu.dimension_semantics<arbitrary>], iteration_bounds = array<i64: 10>, scalar_prefetch = 0 : i64, scratch_operands = 0 : i64, tpu.core_type = #tpu.core_type<tc>, window_params = [{transform_indices = @transform_0, window_bounds = array<i64: 1000, 128>}, {transform_indices = @transform_1, window_bounds = array<i64: 1000, 128>}, {transform_indices = @transform_2, window_bounds = array<i64: 1000, 24>}, {transform_indices = @transform_3, window_bounds = array<i64: 1000, 24>}, {pipeline_mode = #tpu.pipeline_mode<synchronous>, transform_indices = @transform_4, window_bounds = array<i64: 24, 256>}, {pipeline_mode = #tpu.pipeline_mode<synchronous>, transform_indices = @transform_5, window_bounds = array<i64: 1, 256>}, {pipeline_mode = #tpu.pipeline_mode<synchronous>, transform_indices = @transform_6, window_bounds = array<i64: 512, 256>}, {pipeline_mode = #tpu.pipeline_mode<synchronous>, transform_indices = @transform_7, window_bounds = array<i64: 1, 512>}, {pipeline_mode = #tpu.pipeline_mode<synchronous>, transform_indices = @transform_8, window_bounds = array<i64: 256, 512>}, {pipeline_mode = #tpu.pipeline_mode<synchronous>, transform_indices = @transform_9, window_bounds = array<i64: 1, 256>}, {transform_indices = @transform_10, window_bounds = array<i64: 1000, 256>}]} {
    %get3A = arith.constant 0 : index
    %get3A_0 = arith.constant 0 : index
    %get3A_1 = vector.load %arg1[%get3A, %get3A_0] : memref<1000x128xf32, #tpu.memory_space<vmem>>, vector<1000x128xf32>
    %get3A_2 = arith.constant 0 : index
    %get3A_3 = arith.constant 0 : index
    %get3A_4 = vector.load %arg2[%get3A_2, %get3A_3] : memref<1000x128xf32, #tpu.memory_space<vmem>>, vector<1000x128xf32>
    %concatenate3A = tpu.concatenate %get3A_1, %get3A_4 in 1 : vector<1000x128xf32>, vector<1000x128xf32> -> vector<1000x256xf32>
    %get3A_5 = arith.constant 0 : index
    %get3A_6 = arith.constant 0 : index
    %get3A_7 = vector.load %arg3[%get3A_5, %get3A_6] : memref<1000x24xf32, #tpu.memory_space<vmem>>, vector<1000x24xf32>
    %get3A_8 = arith.constant 0 : index
    %get3A_9 = arith.constant 0 : index
    %get3A_10 = vector.load %arg4[%get3A_8, %get3A_9] : memref<1000x24xf32, #tpu.memory_space<vmem>>, vector<1000x24xf32>
    %add3A = arith.addf %get3A_7, %get3A_10 : vector<1000x24xf32>
    %get3A_11 = arith.constant 0 : index
    %get3A_12 = arith.constant 0 : index
    %get3A_13 = vector.load %arg5[%get3A_11, %get3A_12] : memref<24x256xf32, #tpu.memory_space<vmem>>, vector<24x256xf32>
    %dot_general3A = arith.constant dense<0.000000e+00> : vector<1000x256xf32>
    %dot_general3A_14 = tpu.matmul %add3A, %get3A_13, %dot_general3A {dimension_numbers = #tpu.dot_dimension_numbers<[1], [0], [0], [1], [0, 0, 1, 1], [], []>, transpose_lhs_hint = false} : vector<1000x24xf32>, vector<24x256xf32>, vector<1000x256xf32> -> vector<1000x256xf32>
    %add3A_15 = arith.addf %concatenate3A, %dot_general3A_14 : vector<1000x256xf32>
    %get3A_16 = arith.constant 0 : index
    %get3A_17 = arith.constant 0 : index
    %get3A_18 = vector.load %arg6[%get3A_16, %get3A_17] : memref<1x256xf32, #tpu.memory_space<vmem>>, vector<1x256xf32>
    %add3A_19 = vector.broadcast %get3A_18 : vector<1x256xf32> to vector<1000x256xf32>
    %add3A_20 = arith.addf %add3A_15, %add3A_19 : vector<1000x256xf32>
    %get3A_21 = arith.constant 0 : index
    %get3A_22 = arith.constant 0 : index
    %get3A_23 = vector.load %arg7[%get3A_21, %get3A_22] : memref<512x256xf32, #tpu.memory_space<vmem>>, vector<512x256xf32>
    %dot_general3A_24 = arith.constant dense<0.000000e+00> : vector<1000x512xf32>
    %dot_general3A_25 = tpu.matmul %add3A_20, %get3A_23, %dot_general3A_24 {dimension_numbers = #tpu.dot_dimension_numbers<[1], [1], [0], [0], [0, 0, 1, 0], [], []>, transpose_lhs_hint = false} : vector<1000x256xf32>, vector<512x256xf32>, vector<1000x512xf32> -> vector<1000x512xf32>
    %get3A_26 = arith.constant 0 : index
    %get3A_27 = arith.constant 0 : index
    %get3A_28 = vector.load %arg8[%get3A_26, %get3A_27] : memref<1x512xf32, #tpu.memory_space<vmem>>, vector<1x512xf32>
    %add3A_29 = vector.broadcast %get3A_28 : vector<1x512xf32> to vector<1000x512xf32>
    %add3A_30 = arith.addf %dot_general3A_25, %add3A_29 : vector<1000x512xf32>
    %max3A = arith.constant 0.000000e+00 : f32
    %max3A_31 = vector.broadcast %max3A : f32 to vector<1000x512xf32>
    %max3A_32 = arith.maximumf %add3A_30, %max3A_31 : vector<1000x512xf32>
    %get3A_33 = arith.constant 0 : index
    %get3A_34 = arith.constant 0 : index
    %get3A_35 = vector.load %arg9[%get3A_33, %get3A_34] : memref<256x512xf32, #tpu.memory_space<vmem>>, vector<256x512xf32>
    %dot_general3A_36 = arith.constant dense<0.000000e+00> : vector<1000x256xf32>
    %dot_general3A_37 = tpu.matmul %max3A_32, %get3A_35, %dot_general3A_36 {dimension_numbers = #tpu.dot_dimension_numbers<[1], [1], [0], [0], [0, 0, 1, 0], [], []>, transpose_lhs_hint = false} : vector<1000x512xf32>, vector<256x512xf32>, vector<1000x256xf32> -> vector<1000x256xf32>
    %get3A_38 = arith.constant 0 : index
    %get3A_39 = arith.constant 0 : index
    %get3A_40 = vector.load %arg10[%get3A_38, %get3A_39] : memref<1x256xf32, #tpu.memory_space<vmem>>, vector<1x256xf32>
    %add3A_41 = vector.broadcast %get3A_40 : vector<1x256xf32> to vector<1000x256xf32>
    %add3A_42 = arith.addf %dot_general3A_37, %add3A_41 : vector<1000x256xf32>
    %swap3A = arith.constant 0 : index
    %swap3A_43 = arith.constant 0 : index
    %swap3A_44 = vector.load %arg11[%swap3A, %swap3A_43] : memref<1000x256xf32, #tpu.memory_space<vmem>>, vector<1000x256xf32>
    tpu.vector_store %arg11[%swap3A, %swap3A_43], %add3A_42 {strides = array<i32>} : memref<1000x256xf32, #tpu.memory_space<vmem>>, vector<1000x256xf32>,
    return
  }
  func.func @transform_0(%arg0: i32) -> (i32, i32) {
    %c0_i32 = arith.constant 0 : i32
    %c0_i32_0 = arith.constant 0 : i32
    return %arg0, %c0_i32 : i32, i32
  }
  func.func @transform_1(%arg0: i32) -> (i32, i32) {
    %add3A = arith.constant 10 : i32
    %add3A_0 = arith.addi %arg0, %add3A : i32
    %c0_i32 = arith.constant 0 : i32
    %c0_i32_1 = arith.constant 0 : i32
    return %add3A_0, %c0_i32 : i32, i32
  }
  func.func @transform_2(%arg0: i32) -> (i32, i32) {
    %c0_i32 = arith.constant 0 : i32
    %c0_i32_0 = arith.constant 0 : i32
    return %arg0, %c0_i32 : i32, i32
  }
  func.func @transform_3(%arg0: i32) -> (i32, i32) {
    %add3A = arith.constant 10 : i32
    %add3A_0 = arith.addi %arg0, %add3A : i32
    %c0_i32 = arith.constant 0 : i32
    %c0_i32_1 = arith.constant 0 : i32
    return %add3A_0, %c0_i32 : i32, i32
  }
  func.func @transform_4(%arg0: i32) -> (i32, i32) {
    %c0_i32 = arith.constant 0 : i32
    %c0_i32_0 = arith.constant 0 : i32
    %c0_i32_1 = arith.constant 0 : i32
    return %c0_i32, %c0_i32_0 : i32, i32
  }
  func.func @transform_5(%arg0: i32) -> (i32, i32) {
    %c0_i32 = arith.constant 0 : i32
    %c0_i32_0 = arith.constant 0 : i32
    %c0_i32_1 = arith.constant 0 : i32
    return %c0_i32, %c0_i32_0 : i32, i32
  }
  func.func @transform_6(%arg0: i32) -> (i32, i32) {
    %c0_i32 = arith.constant 0 : i32
    %c0_i32_0 = arith.constant 0 : i32
    %c0_i32_1 = arith.constant 0 : i32
    return %c0_i32, %c0_i32_0 : i32, i32
  }
  func.func @transform_7(%arg0: i32) -> (i32, i32) {
    %c0_i32 = arith.constant 0 : i32
    %c0_i32_0 = arith.constant 0 : i32
    %c0_i32_1 = arith.constant 0 : i32
    return %c0_i32, %c0_i32_0 : i32, i32
  }
  func.func @transform_8(%arg0: i32) -> (i32, i32) {
    %c0_i32 = arith.constant 0 : i32
    %c0_i32_0 = arith.constant 0 : i32
    %c0_i32_1 = arith.constant 0 : i32
    return %c0_i32, %c0_i32_0 : i32, i32
  }
  func.func @transform_9(%arg0: i32) -> (i32, i32) {
    %c0_i32 = arith.constant 0 : i32
    %c0_i32_0 = arith.constant 0 : i32
    %c0_i32_1 = arith.constant 0 : i32
    return %c0_i32, %c0_i32_0 : i32, i32
  }
  func.func @transform_10(%arg0: i32) -> (i32, i32) {
    %c0_i32 = arith.constant 0 : i32
    %c0_i32_0 = arith.constant 0 : i32
    return %arg0, %c0_i32 : i32, i32
  }
}

</mosaic_0001>

<sc_bundles>
// kernel: kernel.5.cloned.1.call-start
scs
__scs_entry_jumppad:
0x0: {  	(pc) =	sbr.rel $0x88, $3  }
0x1: {  	(tag) =	ssettag $0x0;
	lr =	simm.s32 $0x1  }
0x2: {  	[smem:$0x3F95] =	sst lr;
	_ =	strace $0xD0000000  }
0x3: {  	_ = 	snop  }
0x4: {  	_ = 	snop  }
0x5: {  	_ = 	snop  }
0x6: {  	_ = 	snop  }
0x7: {  	_ = 	snop  }
__scs_overlays_trampoline_lowered:
0x8: {  	[smem:$0x3FA4] =	sst s0  }
0x9: {  	[smem:$0x3FA5] =	sst s1  }
0xa: {  	[smem:$0x3FA6] =	sst s2  }
0xb: {  	[smem:$0x3FA7] =	sst s3  }
0xc: {  	[smem:$0x3FA8] =	sst s4  }
0xd: {  	[smem:$0x3FA9] =	sst s5  }
0xe: {  	[smem:$0x3FAA] =	sst s6  }
0xf: {  	[smem:$0x3FAB] =	sst s7  }
0x10: {  	[smem:$0x3FAC] =	sst s8  }
0x11: {  	[smem:$0x3FAD] =	sst s9;
	s0 =	simm.s32 @!p0 $0x0  }
0x12: {  	s1 =	sld [smem:$0x3F93];
	s0 =	simm.s32 @p0 $0x1  }
0x13: {  	[smem:$0x3FAE] =	sst s0;
	s0 =	simm.s32 @!p1 $0x0  }
0x14: {  	s2 =	sld [smem:$0x3F92];
	s0 =	simm.s32 @p1 $0x1  }
0x15: {  	[smem:$0x3FAF] =	sst s0;
	s0 =	simm.s32 @!p2 $0x0  }
0x16: {  	s3 =	sld [smem:$0x3FDB];
	s0 =	simm.s32 @p2 $0x1  }
0x17: {  	s4 =	simm.s32 $0x1BF5;
	[smem:$0x3FB1] =	sst s0  }
0x18: {  	s0 =	sld [smem:$0x3F94];
	_ =	swait.ge [sflag:s4], $0x0  }
0x19: {  	s7 =	sld [smem:$0x3F95]  }
0x1a: {  	s8 =	sadd.s32 $0xFFFFE003, lr  }
0x1b: {  	s9 =	sadd.s32 $0xFFFFFEF7, lr;
	s5 =	simm.s32 $0xFFFFFFFF;
	p2 =	slt.u32 s8, $0xFFFFF086  }
0x1c: {  	p1 =	slt.u32 s9, $0xF7A;
	s5 =	simm.s32 @!p2 $0x0  }
0x1d: {  	s5 =	simm.s32 @p1 $0x1;
	p0 =	seq.s32 s7, s2  }
0x1e: {  	s7 =	smul.u32 @!p0 $0xF7A, s2;
	p2 =	seq.s32 @!p0 s5, $0x0  }
0x1f: {  	s9 =	smul.u32 $0xF7A, s1;
	s8 =	simm.s32 @!p0 $0x1BF5;
	p2 =	por !p2, p0  }
0x20: {  	[sflag:s8] =	ssyncset.s32 @!p0 $0xFFFFF086;
	s6 =	sadd.s32 @!p0 s3, s7;
	s7 =	simm.s32 @!p0 $0x108  }
0x21: {  	s3 =	sadd.s32 s3, s9;
	s6 =	sadd.s32 @!p0 $0x88, s6;
	s7 =	simm.s32 @p2 $0x1082  }
0x22: {  	[simem:s7], [sflag:s8] =	dma.local @!p0 [hbm:s6], $0xF7A  }
0x23: {  	s9 =	sor.u32 $0xD0000000, s2;
	s6 =	simm.s32 $0x108;
	_ =	swait.ge @!p0 [sflag:s8], $0x0  }
0x24: {  	s3 =	sadd.s32 $0x88, s3;
	s6 =	simm.s32 @!p1 $0x1082;
	[sflag:s4] =	ssyncset.s32 $0xFFFFF086  }
0x25: {  	[simem:s6], [sflag:s4] =	dma.local [hbm:s3], $0xF7A  }
0x26: {  	[smem:$0x3F95] =	sst s1;
	(tag) =	ssettag s2;
	_ =	strace s9  }
0x27: {  	s1 =	sld [smem:$0x3FA5]  }
0x28: {  	s2 =	sld [smem:$0x3FA6]  }
0x29: {  	s4 =	sld [smem:$0x3FA8]  }
0x2a: {  	p0 =	seq.s32 s5, $0x0;
	s5 =	sld [smem:$0x3FA9]  }
0x2b: {  	s6 =	sld [smem:$0x3FAA]  }
0x2c: {  	s7 =	sld [smem:$0x3FAB]  }
0x2d: {  	s3 =	simm.s32 $0x108;
	s8 =	sld [smem:$0x3FAC]  }
0x2e: {  	s3 =	simm.s32 @!p0 $0x1082;
	s9 =	sld [smem:$0x3FAD]  }
0x2f: {  	lr =	sadd.s32 s0, s3;
	s0 =	sld [smem:$0x3FA4]  }
0x30: {  	s3 =	sld [smem:$0x3FA7]  }
0x31: {  	[smem:$0x3FB0] =	sst s10  }
0x32: {  	s10 =	sld [smem:$0x3FAE];
	_ =	sdelay $0x3  }
0x33: {  	p0 =	seq.s32 s10, $0x1;
	s10 =	sld [smem:$0x3FB0];
	_ =	sdelay $0x3  }
0x34: {  	[smem:$0x3FB0] =	sst s10  }
0x35: {  	s10 =	sld [smem:$0x3FAF];
	_ =	sdelay $0x3  }
0x36: {  	p1 =	seq.s32 s10, $0x1;
	s10 =	sld [smem:$0x3FB0];
	_ =	sdelay $0x3  }
0x37: {  	[smem:$0x3FB0] =	sst s10  }
0x38: {  	s10 =	sld [smem:$0x3FB1]  }
0x39: {  	_ = 	snop;
	(pc) =	sbr.ind lr, $3  }
0x3a: {  	_ = 	snop  }
0x3b: {  	_ = 	snop  }
0x3c: {  	p2 =	seq.s32 s10, $0x1;
	s10 =	sld [smem:$0x3FB0]  }
0x3d: {  	_ =	shalt  }
0x3e: {  	_ =	shalt  }
0x3f: {  	_ =	shalt  }
0x40: {  	_ =	shalt  }
0x41: {  	_ =	shalt  }
0x42: {  	_ =	shalt  }
0x43: {  	_ =	shalt  }
0x44: {  	_ =	shalt  }
0x45: {  	_ =	shalt  }
0x46: {  	_ =	shalt  }
0x47: {  	_ =	shalt  }
0x48: {  	_ =	shalt  }
0x49: {  	_ =	shalt  }
0x4a: {  	_ =	shalt  }
0x4b: {  	_ =	shalt  }
0x4c: {  	_ =	shalt  }
0x4d: {  	_ =	shalt  }
0x4e: {  	_ =	shalt  }
0x4f: {  	_ =	shalt  }
0x50: {  	_ =	shalt  }
0x51: {  	_ =	shalt  }
0x52: {  	_ =	shalt  }
0x53: {  	_ =	shalt  }
0x54: {  	_ =	shalt  }
0x55: {  	_ =	shalt  }
0x56: {  	_ =	shalt  }
0x57: {  	_ =	shalt  }
0x58: {  	_ =	shalt  }
0x59: {  	_ =	shalt  }
0x5a: {  	_ =	shalt  }
0x5b: {  	_ =	shalt  }
0x5c: {  	_ =	shalt  }
0x5d: {  	_ =	shalt  }
0x5e: {  	_ =	shalt  }
0x5f: {  	_ =	shalt  }
0x60: {  	_ =	shalt  }
0x61: {  	_ =	shalt  }
0x62: {  	_ =	shalt  }
0x63: {  	_ =	shalt  }
0x64: {  	_ =	shalt  }
0x65: {  	_ =	shalt  }
0x66: {  	_ =	shalt  }
0x67: {  	_ =	shalt  }
0x68: {  	_ =	shalt  }
0x69: {  	_ =	shalt  }
0x6a: {  	_ =	shalt  }
0x6b: {  	_ =	shalt  }
0x6c: {  	_ =	shalt  }
0x6d: {  	_ =	shalt  }
0x6e: {  	_ =	shalt  }
0x6f: {  	_ =	shalt  }
0x70: {  	_ =	shalt  }
0x71: {  	_ =	shalt  }
0x72: {  	_ =	shalt  }
0x73: {  	_ =	shalt  }
0x74: {  	_ =	shalt  }
0x75: {  	_ =	shalt  }
0x76: {  	_ =	shalt  }
0x77: {  	_ =	shalt  }
0x78: {  	_ =	shalt  }
0x79: {  	_ =	shalt  }
0x7a: {  	_ =	shalt  }
0x7b: {  	_ =	shalt  }
0x7c: {  	_ =	shalt  }
0x7d: {  	_ =	shalt  }
0x7e: {  	_ =	shalt  }
0x7f: {  	_ =	shalt  }
0x80: {  	_ =	shalt  }
0x81: {  	_ =	shalt  }
0x82: {  	_ =	shalt  }
0x83: {  	_ =	shalt  }
0x84: {  	_ =	shalt  }
0x85: {  	_ =	shalt  }
0x86: {  	_ =	shalt  }
0x87: {  	_ =	shalt  }
.Lfunc_end0:
.L_simem_size_0:
called_computation_lowered:
.L_overlay_start_0:
0x88: {  	s2 =	sld [smem:$0x3FD9]  }
0x89: {  	s3 =	sld [smem:$0x3FFE];
	_ =	sdelay $0x1  }
0x8a: {  	s1 =	srdreg.scid  }
0x8b: {  	s0 =	sand.u32 $0x1, s1  }
0x8c: {  	s17 =	sshll.u32 s0, $0xA;
	s2 =	sadd.s32 s3, s2  }
0x8d: {  	s2 =	sadd.s32 s2, s17  }
0x8e: {  	[smem:$0x3FBC] =	sst s2  }
0x8f: {  	_ = 	snop  }
0x90: {  	s2 =	sld [smem:$0x3FD0];
	(tm) =	ssettm $0x1  }
0x91: {  	s18 =	sld [smem:$0x3FFB];
	_ =	sdelay $0x3  }
0x92: {  	_ =	strace s18  }
0x93: {  	s3 =	sld [smem:$0x3FFC];
	_ =	sdelay $0x3  }
0x94: {  	_ =	strace s3  }
0x95: {  	s3 =	sld [smem:$0x3FFD];
	_ =	sdelay $0x3  }
0x96: {  	_ =	strace s3  }
0x97: {  	_ =	strace $0x8FFFFFFF  }
0x98: {  	s19 =	sld [smem:$0x3FDB];
	_ =	sdelay $0x1  }
0x99: {  	s4 =	simm.s32 $_scs_section_size  }
0x9a: {  	s5 =	simm.s32 $_size__tile_overlayer_lowered;
	s6 =	simm.s32 $_tile_overlayer_lowered  }
0x9b: {  	s22 =	simm.s32 $0x1BFF;
	s21 =	sshll.u32 s6, $0x1;
	s3 =	sadd.s32 s4, s19  }
0x9c: {  	s7 =	simm.s32 $0x0;
	s20 =	sshll.u32 s5, $0x1;
	s5 =	sadd.s32 s21, s3  }
0x9d: {  	[timem:s7], [sflag:s22] =	dma.local [hbm:s5], s20  }
0x9e: {  	_ =	swait.ge [sflag:s22], s20  }
0x9f: {  	s4 =	ssub.s32 $0x0, s20;
	[sflag:s22] =	ssyncset.done $0x0  }
0xa0: {  	[sflag:s22] =	ssyncadd.s32 s4;
	_ =	sdelay $0x1  }
0xa1: {  	s23 =	simm.s32 $0x1B8B  }
0xa2: {  	_ =	swait.ge [sflag:s23], $0x1  }
0xa3: {  	[sflag:s23] =	ssyncset.done $0x0  }
0xa4: {  	s25 =	simm.s32 $0x1B8E;
	s24 =	sld [smem:$0x3FFE];
	[sflag:s23] =	ssyncadd.s32 $0xFFFFFFFF  }
0xa5: {  	s26 =	simm.s32 $execute0_lowered;
	[smem:$0x3FD2] =	sst s25  }
0xa6: {  	s5 =	sshll.u32 s26, $0x1;
	_ =	strace $0x80000046;
	[dreg:$0x1] =	wrdreg $0xFFFFFFFF  }
0xa7: {  	s28 =	simm.s32 $_size_execute0_lowered;
	s3 =	sadd.s32 s3, s5;
	[dreg:$0x0] =	wrdreg $0x0  }
0xa8: {  	s5 =	sshll.u32 s28, $0x1;
	[dreg:$0x2] =	wrdreg s3  }
0xa9: {  	[dreg:$0x3] =	wrdreg s5  }
0xaa: {  	[dreg:$0x4] =	wrdreg $0xC0  }
0xab: {  	_ =	task [dreg:s7], $0x5FFFF  }
0xac: {  	[dreg:$0x1] =	wrdreg $0xFFFFFFFF  }
0xad: {  	[dreg:$0x0] =	wrdreg $0x60  }
0xae: {  	[dreg:$0x2] =	wrdreg s2  }
0xaf: {  	[dreg:$0x3] =	wrdreg s24  }
0xb0: {  	[dreg:$0x4] =	wrdreg $0x7C800  }
0xb1: {  	[dreg:$0x5] =	wrdreg $0x1B5400  }
0xb2: {  	[dreg:$0x6] =	wrdreg $0x9  }
0xb3: {  	_ =	task.clear_ibuf [dreg:s7], $0x7FFFF;
	_ =	strace $0x90000046  }
0xb4: {  	s29 =	simm.s32 $0x9;
	_ =	strace $0x80000048  }
0xb5: {  	_ =	swait.ge [sflag:s29], $0x1  }
0xb6: {  	[sflag:s29] =	ssyncadd.s32 $0xFFFFFFFF  }
0xb7: {  	_ =	strace $0x90000048  }
0xb8: {  	_ =	sfence  }
0xb9: {  	s30 =	sld [smem:$0x0];
	_ =	sdelay $0x2  }
0xba: {  	s31 =	sshll.u32 s1, $0xD;
	s1 =	sshrl.u32 s1, $0x2  }
0xbb: {  	s3 =	sand.u32 $0x4000, s31;
	s1 =	sadd.s32 s1, s30  }
0xbc: {  	s0 =	sor.u32 s3, s0;
	s1 =	sshll.u32 s1, $0x11  }
0xbd: {  	s0 =	sor.u32 s1, s0  }
0xbe: {  	s0 =	sadd.s32 $0x8F2B, s0  }
0xbf: {  	[sflag:s0] =	ssyncadd.remote.s32 $0x1  }
0xc0: {  	_ =	sfence.sel $0xFFFF  }
0xc1: {  	[dreg:$0x0] =	wrdreg $0xFFFFFFFF;
	(pc) =	sbr.abs _section_cstart, $3  }
0xc2: {  	[dreg:$0x1] =	wrdreg $0xFFFFFFFF  }
0xc3: {  	_ =	task.clear_ibuf [dreg:s7], $0x2FFFF;
	_ =	strace $0x9FFFFFFF  }
0xc4: {  	(tm) =	ssettm $0x7FFFFFFF  }
0xc5: {  	_ =	shalt  }
tec
execute0_lowered:
.L_overlay_start_1:
0x0: {  	(tag) =	ssettag $0x1  }
0x1: {  	s1 =	rddreg [dreg:$0x0]  }
0x2: {  	s0 =	rddreg [dreg:$0x1]  }
0x3: {  	s3 =	rddreg [dreg:$0x2]  }
0x4: {  	s4 =	rddreg [dreg:$0x3];
	s16 =	stileid.u32;
	s5 =	simm.s32 $0x0  }
0x5: {  	s6 =	srdreg.scid;
	s28 =	simm.s32 $0x5;
	s2 =	smul.u32 $0x3B00, s16  }
0x6: {  	s29 =	simm.s32 $0x78;
	s30 =	simm.s32 $0x400;
	s7 =	smul.u32 $0x1500, s16  }
0x7: {  	s31 =	simm.s32 $0x200;
	[smem:$0x7FF] =	sst s5;
	s10 =	smul.u32 $0x278, s16  }
0x8: {  	s6 =	sand.u32 $0x1, s6;
	s11 =	sadd.s32 $0x2CC00, s0;
	s13 =	smul.u32 $0x4F000, s16  }
0x9: {  	s14 =	sadd.s32 $0x1E000, s0;
	s24 =	sadd.s32 $0x128400, s3;
	s17 =	sadd.s32 $0x1D8A0, s0  }
0xa: {  	p2 =	seq.s32 s16, $0xF;
	_ =	strace $0x80000047;
	s9 =	smul.u32 $0x2710, s6  }
0xb: {  	s12 =	ssub.s32 $0x2, s6;
	s20 =	smul.u32 $0x138800, s6;
	[dreg:$0x9] =	wrdreg s24  }
0xc: {  	s25 =	smul.u32 $0x3A980, s6;
	[dreg:$0xc] =	wrdreg s17;
	s17 =	sshll.u32 s6, $0x7  }
0xd: {  	p0 =	seq.s32 s6, $0x0;
	p1 =	sne.s32 s6, $0x0;
	s6 =	simm.s32 $0x100  }
0xe: {  	s8 =	sshrl.u32 s2, $0x3;
	s7 =	sadd.s32 s7, s0;
	s15 =	sshrl.u32 s12, $0x1  }
0xf: {  	s19 =	sshrl.u32 s13, $0x2;
	s22 =	sadd.s32 s2, s4;
	s13 =	sadd.s32 $0x3A980, s4  }
0x10: {  	s9 =	sadd.s32 s10, s9;
	s10 =	sadd.s32 s19, s3;
	[dreg:$0x7] =	wrdreg s22  }
0x11: {  	s12 =	ssub.s32 s12, s15;
	s15 =	sadd.s32 $0x37500, s4;
	[dreg:$0x5] =	wrdreg s10  }
0x12: {  	s8 =	sadd.s32 s8, s0;
	s0 =	sadd.s32 $0x1DF30, s0;
	[dreg:$0xb] =	wrdreg s15  }
0x13: {  	s18 =	sadd.s32 s2, s25;
	s24 =	sadd.s32 $0x1A40, s7;
	[dreg:$0xd] =	wrdreg s0  }
0x14: {  	s19 =	sshrl.u32 s25, $0x3;
	s25 =	sadd.s32 $0x1A80, s7;
	[dreg:$0x13] =	wrdreg s24  }
0x15: {  	s9 =	sshll.u32 s9, $0x4;
	s8 =	sadd.s32 $0x16A00, s8;
	[dreg:$0x14] =	wrdreg s25  }
0x16: {  	s0 =	sshrl.u32 s18, $0x3;
	s21 =	sadd.s32 s1, s9;
	[dreg:$0x8] =	wrdreg s8  }
0x17: {  	s23 =	sshrl.u32 s20, $0x3;
	s0 =	sadd.s32 s14, s0;
	[dreg:$0x6] =	wrdreg s21  }
0x18: {  	s8 =	sadd.s32 $0x25080, s23;
	s23 =	smax.u32 s12, $0x1;
	[dreg:$0xe] =	wrdreg s0  }
0x19: {  	s2 =	simm.s32 $0x1;
	s26 =	sadd.s32 s1, s8;
	[dreg:$0x12] =	wrdreg s23  }
0x1a: {  	s15 =	sadd.s32 $0x1A00, s7;
	s21 =	sadd.s32 s11, s9;
	[dreg:$0xa] =	wrdreg s26  }
0x1b: {  	s20 =	sadd.s32 s14, s19;
	s22 =	sadd.s32 s11, s8;
	[dreg:$0xf] =	wrdreg s21  }
0x1c: {  	s0 =	sadd.s32 $0x6EA0, s20;
	s8 =	simm.s32 $0x3;
	[dreg:$0x10] =	wrdreg s22  }
0x1d: {  	s11 =	simm.s32 $0x0;
	[dreg:$0x11] =	wrdreg s0;
	s26 =	sadd.s32 $0x2EC0, s7  }
0x1e: {  	s0 =	sshrl.u32 @p2 s13, $0x3;
	s7 =	simm.s32 $0x300;
	[dreg:$0x15] =	wrdreg s26  }
0x1f: {  	v0 =	vimm.f32 $1.000000000e+00;
	[dreg:$0x16] =	wrdreg s0;
	s26 =	sor.u32 $0x200, s17;
	s0 =	simm.s32 $0x4000  }
.LBB2_1:
0x20: {  	s9 =	rddreg [dreg:$0x9]  }
0x21: {  	s10 =	rddreg [dreg:$0xa];
	s12 =	sshrl.u32 @p2 s9, $0x3  }
0x22: {  	s9 =	simm.s32 @p2 $0x1FC5;
	[dreg:$0x17] =	wrdreg s12  }
0x23: {  	[spmem:s12], [sflag:s9] =	dma.local @p2 [hbm:s10], $0x2080  }
0x24: {  	s10 =	simm.s32 @p2 $0x5  }
0x25: {  	_ =	swait.ge @p2 [sflag:s10], $0x2080  }
0x26: {  	s12 =	rddreg [dreg:$0xb]  }
0x27: {  	[sflag:s10] =	ssyncset.done @p2 $0x0;
	s13 =	sshrl.u32 @p2 s12, $0x3;
	s12 =	rddreg [dreg:$0xc]  }
0x28: {  	[sflag:s10] =	ssyncadd.s32 @p2 $0xFFFFDF80;
	[dreg:$0x18] =	wrdreg s13  }
0x29: {  	[spmem:s13], [sflag:s9] =	dma.local @p2 [hbm:s12], $0x690  }
0x2a: {  	_ =	swait.ge @p2 [sflag:s10], $0x690  }
0x2b: {  	[sflag:s10] =	ssyncset.done @p2 $0x0;
	s12 =	rddreg [dreg:$0xd]  }
0x2c: {  	s13 =	rddreg [dreg:$0x16];
	[sflag:s10] =	ssyncadd.s32 @p2 $0xFFFFF970  }
0x2d: {  	[spmem:s13], [sflag:s9] =	dma.local @p2 [hbm:s12], $0x10  }
0x2e: {  	s9 =	stileid.u32  }
0x2f: {  	_ =	swait.ge @p2 [sflag:s10], $0x10;
	s9 =	sshll.u32 @!p2 s9, $0x6  }
0x30: {  	[sflag:s10] =	ssyncset.done @p2 $0x0;
	s14 =	sor.u32 @!p2 $0x1C05, s9;
	s9 =	rddreg [dreg:$0x5]  }
0x31: {  	[sflag:s10] =	ssyncadd.s32 @p2 $0xFFFFFFF0;
	s10 =	sshrl.u32 @!p2 s9, $0x3;
	s9 =	rddreg [dreg:$0x6]  }
0x32: {  	[dreg:$0x19] =	wrdreg s10  }
0x33: {  	[spmem:s10], [sflag:s14] =	dma.local @!p2 [hbm:s9], $0x2780  }
0x34: {  	s9 =	simm.s32 @!p2 $0x5  }
0x35: {  	_ =	swait.ge @!p2 [sflag:s9], $0x2780  }
0x36: {  	s10 =	rddreg [dreg:$0x7]  }
0x37: {  	[sflag:s9] =	ssyncset.done @!p2 $0x0;
	s12 =	sshrl.u32 @!p2 s10, $0x3;
	s10 =	rddreg [dreg:$0x8]  }
0x38: {  	[sflag:s9] =	ssyncadd.s32 @!p2 $0xFFFFD880;
	[dreg:$0x1a] =	wrdreg s12  }
0x39: {  	[spmem:s12], [sflag:s14] =	dma.local @!p2 [hbm:s10], $0x760  }
0x3a: {  	_ =	swait.ge @!p2 [sflag:s9], $0x760  }
0x3b: {  	[sflag:s9] =	ssyncset.done @!p2 $0x0  }
0x3c: {  	[sflag:s9] =	ssyncadd.s32 @!p2 $0xFFFFF8A0  }
0x3d: {  	[tilespmem:$0x7C00] =	vst v0  }
0x3e: {  	[tilespmem:$0x7C10] =	vst v0  }
0x3f: {  	[tilespmem:$0x7C20] =	vst v0  }
0x40: {  	[tilespmem:$0x7C30] =	vst v0  }
0x41: {  	[tilespmem:$0x7C40] =	vst v0  }
0x42: {  	[tilespmem:$0x7C50] =	vst v0  }
0x43: {  	[tilespmem:$0x7C60] =	vst v0  }
0x44: {  	[tilespmem:$0x7C68] =	vst v0  }
0x45: {  	[bflag:$0x0] =	sbarrier.arrive $0xFFFF  }
0x46: {  	[tilespmem:s5], [sflag:$0x5] =	stream.linear.gather [hbm4b:s15+s5], $0x200, $0x38;
	[tilespmem:$0x1EFE0] =	vst v63  }
0x47: {  	_ =	swait.ge [sflag:s28], $0x200  }
0x48: {  	[sflag:s28] =	ssyncset.done $0x0  }
0x49: {  	[sflag:s28] =	ssyncadd.s32 $0xFFFFFE00  }
0x4a: {  	[tilespmem:s30], [sflag:$0x1] =	stream.indirect.gather [hbm4b:s1+s29], $0x80, s17, s29, $0xb8;
	[tilespmem:$0x1EFE0] =	vst v63  }
0x4b: {  	s13 =	rddreg [dreg:$0x13]  }
0x4c: {  	[tilespmem:s31], [sflag:$0x5] =	stream.linear.gather [hbm4b:s13+s5], $0x200, $0x38;
	[tilespmem:$0x1EFE0] =	vst v63  }
0x4d: {  	_ =	swait.ge [sflag:s28], $0x200  }
0x4e: {  	[sflag:s28] =	ssyncset.done $0x0  }
0x4f: {  	[sflag:s28] =	ssyncadd.s32 $0xFFFFFE00  }
0x50: {  	[tilespmem:s0], [sflag:$0x1] =	stream.indirect.gather [hbm4b:s1+s29], $0x80, s26, s29, $0xb8;
	[tilespmem:$0x1EFE0] =	vst v63  }
0x51: {  	_ =	swait.ge [sflag:s2], $0x3C00  }
0x52: {  	[sflag:s2] =	ssyncset.done $0x0  }
0x53: {  	[sflag:s2] =	ssyncadd.s32 $0xFFFFC400  }
0x54: {  	[spmem:s3] =	stream.indirect.scatter.add.f32 [tilespmem:s30], [sflag:$0x2], $0x80, s6, s29, $0xb8;
	[tilespmem:$0x1EFE0] =	vst v63  }
0x55: {  	s10 =	simm.s32 @p0 $0x180;
	s12 =	simm.s32 @p0 $0x7C00;
	s9 =	simm.s32 @p0 $0x78  }
0x56: {  	[spmem:s4] =	stream.indirect.scatter.add.f32 @p0 [tilespmem:s12], [sflag:$0x4], $0x1, s10, s9, $0xb8;
	[tilespmem:$0x1EFE0] =	vst v63  }
0x57: {  	s9 =	simm.s32 @p0 $0x2  }
0x58: {  	_ =	swait.ge @p0 [sflag:s9], $0x3C00  }
0x59: {  	[sflag:s9] =	ssyncset.done @p0 $0x0  }
0x5a: {  	[sflag:s9] =	ssyncadd.s32 @p0 $0xFFFFC400;
	s9 =	simm.s32 @p0 $0x4  }
0x5b: {  	_ =	swait.ge @p0 [sflag:s9], $0x78  }
0x5c: {  	[sflag:s9] =	ssyncset.done @p0 $0x0  }
0x5d: {  	[sflag:s9] =	ssyncadd.s32 @p0 $0xFFFFFF88;
	s9 =	simm.s32 @!p0 $0x2  }
0x5e: {  	_ =	swait.ge @!p0 [sflag:s9], $0x3C00  }
0x5f: {  	[sflag:s9] =	ssyncset.done @!p0 $0x0  }
0x60: {  	s16 =	rddreg [dreg:$0x14];
	[sflag:s9] =	ssyncadd.s32 @!p0 $0xFFFFC400  }
0x61: {  	[tilespmem:s5], [sflag:$0x5] =	stream.linear.gather [hbm4b:s16+s5], $0x200, $0x38;
	[tilespmem:$0x1EFE0] =	vst v63  }
0x62: {  	_ =	swait.ge [sflag:s28], $0x200  }
0x63: {  	[sflag:s28] =	ssyncset.done $0x0  }
0x64: {  	[sflag:s28] =	ssyncadd.s32 $0xFFFFFE00  }
0x65: {  	_ =	swait.ge [sflag:s2], $0x3C00  }
0x66: {  	[sflag:s2] =	ssyncset.done $0x0  }
0x67: {  	[sflag:s2] =	ssyncadd.s32 $0xFFFFC400  }
0x68: {  	[spmem:s3] =	stream.indirect.scatter.add.f32 [tilespmem:s0], [sflag:$0x3], $0x80, s7, s29, $0xb8;
	[tilespmem:$0x1EFE0] =	vst v63  }
0x69: {  	s21 =	simm.s32 @!p0 $0x78;
	s22 =	simm.s32 @!p0 $0x380;
	s24 =	simm.s32 @!p0 $0x7C00  }
0x6a: {  	[spmem:s4] =	stream.indirect.scatter.add.f32 @!p0 [tilespmem:s24], [sflag:$0x4], $0x1, s22, s21, $0xb8;
	[tilespmem:$0x1EFE0] =	vst v63  }
0x6b: {  	_ = 	snop  }
0x6c: {  	[tilespmem:s30], [sflag:$0x1] =	stream.indirect.gather [hbm4b:s1+s29], $0x80, s17, s29, $0xb8;
	[tilespmem:$0x1EFE0] =	vst v63  }
0x6d: {  	_ =	swait.ge [sflag:s8], $0x3C00  }
0x6e: {  	[sflag:s8] =	ssyncset.done $0x0  }
0x6f: {  	s23 =	simm.s32 @!p0 $0x4;
	[sflag:s8] =	ssyncadd.s32 $0xFFFFC400  }
0x70: {  	_ =	swait.ge @!p0 [sflag:s23], $0x78  }
0x71: {  	s18 =	sadd.s32 $0xFFFFEC00, s15;
	[sflag:s23] =	ssyncset.done @!p0 $0x0  }
0x72: {  	s25 =	sadd.s32 $0x14C0, s18;
	[sflag:s23] =	ssyncadd.s32 @!p0 $0xFFFFFF88  }
0x73: {  	[tilespmem:s31], [sflag:$0x5] =	stream.linear.gather [hbm4b:s25+s5], $0x200, $0x38;
	[tilespmem:$0x1EFE0] =	vst v63  }
0x74: {  	_ =	swait.ge [sflag:s28], $0x200  }
0x75: {  	[sflag:s28] =	ssyncset.done $0x0  }
0x76: {  	[sflag:s28] =	ssyncadd.s32 $0xFFFFFE00  }
0x77: {  	[tilespmem:s0], [sflag:$0x1] =	stream.indirect.gather [hbm4b:s1+s29], $0x80, s26, s29, $0xb8;
	[tilespmem:$0x1EFE0] =	vst v63  }
0x78: {  	_ =	swait.ge [sflag:s2], $0x3C00  }
0x79: {  	[sflag:s2] =	ssyncset.done $0x0  }
0x7a: {  	s9 =	simm.s32 @p1 $0x2;
	[sflag:s2] =	ssyncadd.s32 $0xFFFFC400  }
0x7b: {  	[spmem:s3] =	stream.indirect.scatter.add.f32 [tilespmem:s30], [sflag:$0x2], $0x80, s6, s29, $0xb8;
	[tilespmem:$0x1EFE0] =	vst v63  }
0x7c: {  	_ =	swait.ge @p1 [sflag:s9], $0x3C00  }
0x7d: {  	s20 =	simm.s32 @!p1 $0x7C00;
	s19 =	simm.s32 @!p1 $0x78;
	[sflag:s9] =	ssyncset.done @p1 $0x0  }
0x7e: {  	s10 =	simm.s32 @!p1 $0x2;
	s25 =	simm.s32 @!p1 $0x180;
	[sflag:s9] =	ssyncadd.s32 @p1 $0xFFFFC400  }
0x7f: {  	[spmem:s4] =	stream.indirect.scatter.add.f32 @!p1 [tilespmem:s20], [sflag:$0x4], $0x1, s25, s19, $0xb8;
	[tilespmem:$0x1EFE0] =	vst v63  }
0x80: {  	_ =	swait.ge @!p1 [sflag:s10], $0x3C00  }
0x81: {  	[sflag:s10] =	ssyncset.done @!p1 $0x0  }
0x82: {  	s12 =	simm.s32 @!p1 $0x4;
	[sflag:s10] =	ssyncadd.s32 @!p1 $0xFFFFC400  }
0x83: {  	_ =	swait.ge @!p1 [sflag:s12], $0x78  }
0x84: {  	[sflag:s12] =	ssyncset.done @!p1 $0x0  }
0x85: {  	s13 =	sadd.s32 $0x1500, s18;
	[sflag:s12] =	ssyncadd.s32 @!p1 $0xFFFFFF88  }
0x86: {  	[tilespmem:s5], [sflag:$0x5] =	stream.linear.gather [hbm4b:s13+s5], $0x200, $0x38;
	[tilespmem:$0x1EFE0] =	vst v63  }
0x87: {  	_ =	swait.ge [sflag:s28], $0x200  }
0x88: {  	[sflag:s28] =	ssyncset.done $0x0  }
0x89: {  	[sflag:s28] =	ssyncadd.s32 $0xFFFFFE00  }
0x8a: {  	_ =	swait.ge [sflag:s2], $0x3C00  }
0x8b: {  	[sflag:s2] =	ssyncset.done $0x0  }
0x8c: {  	s13 =	simm.s32 $0xFFFFEC80;
	[sflag:s2] =	ssyncadd.s32 $0xFFFFC400  }
0x8d: {  	[spmem:s3] =	stream.indirect.scatter.add.f32 [tilespmem:s0], [sflag:$0x3], $0x80, s7, s29, $0xb8;
	[tilespmem:$0x1EFE0] =	vst v63  }
.LBB2_2:
0x8e: {  	[spmem:s4] =	stream.indirect.scatter.add.f32 @!p0 [tilespmem:s24], [sflag:$0x4], $0x1, s22, s21, $0xb8;
	[tilespmem:$0x1EFE0] =	vst v63  }
0x8f: {  	s16 =	smov.u32 s13;
	s13 =	sadd.s32 $0x80, s13  }
0x90: {  	[tilespmem:s30], [sflag:$0x1] =	stream.indirect.gather [hbm4b:s1+s29], $0x80, s17, s29, $0xb8;
	[tilespmem:$0x1EFE0] =	vst v63  }
0x91: {  	p3 =	sne.s32 s13, $0x0;
	_ =	swait.ge [sflag:s8], $0x3C00  }
0x92: {  	[sflag:s8] =	ssyncset.done $0x0  }
0x93: {  	[sflag:s8] =	ssyncadd.s32 $0xFFFFC400  }
0x94: {  	_ =	swait.ge @!p0 [sflag:s23], $0x78  }
0x95: {  	s16 =	sadd.s32 s16, s15;
	[sflag:s23] =	ssyncset.done @!p0 $0x0  }
0x96: {  	s18 =	sadd.s32 $0x14C0, s16;
	[sflag:s23] =	ssyncadd.s32 @!p0 $0xFFFFFF88  }
0x97: {  	[tilespmem:s31], [sflag:$0x5] =	stream.linear.gather [hbm4b:s18+s5], $0x200, $0x38;
	[tilespmem:$0x1EFE0] =	vst v63  }
0x98: {  	_ =	swait.ge [sflag:s28], $0x200  }
0x99: {  	[sflag:s28] =	ssyncset.done $0x0  }
0x9a: {  	[sflag:s28] =	ssyncadd.s32 $0xFFFFFE00  }
0x9b: {  	[tilespmem:s0], [sflag:$0x1] =	stream.indirect.gather [hbm4b:s1+s29], $0x80, s26, s29, $0xb8;
	[tilespmem:$0x1EFE0] =	vst v63  }
0x9c: {  	_ =	swait.ge [sflag:s2], $0x3C00  }
0x9d: {  	[sflag:s2] =	ssyncset.done $0x0  }
0x9e: {  	[sflag:s2] =	ssyncadd.s32 $0xFFFFC400  }
0x9f: {  	[spmem:s3] =	stream.indirect.scatter.add.f32 [tilespmem:s30], [sflag:$0x2], $0x80, s6, s29, $0xb8;
	[tilespmem:$0x1EFE0] =	vst v63  }
0xa0: {  	_ =	swait.ge @p1 [sflag:s9], $0x3C00  }
0xa1: {  	[sflag:s9] =	ssyncset.done @p1 $0x0  }
0xa2: {  	[sflag:s9] =	ssyncadd.s32 @p1 $0xFFFFC400  }
0xa3: {  	[spmem:s4] =	stream.indirect.scatter.add.f32 @!p1 [tilespmem:s20], [sflag:$0x4], $0x1, s25, s19, $0xb8;
	[tilespmem:$0x1EFE0] =	vst v63  }
0xa4: {  	_ =	swait.ge @!p1 [sflag:s10], $0x3C00  }
0xa5: {  	[sflag:s10] =	ssyncset.done @!p1 $0x0  }
0xa6: {  	[sflag:s10] =	ssyncadd.s32 @!p1 $0xFFFFC400  }
0xa7: {  	_ =	swait.ge @!p1 [sflag:s12], $0x78  }
0xa8: {  	[sflag:s12] =	ssyncset.done @!p1 $0x0  }
0xa9: {  	s16 =	sadd.s32 $0x1500, s16;
	[sflag:s12] =	ssyncadd.s32 @!p1 $0xFFFFFF88  }
0xaa: {  	[tilespmem:s5], [sflag:$0x5] =	stream.linear.gather [hbm4b:s16+s5], $0x200, $0x38;
	[tilespmem:$0x1EFE0] =	vst v63  }
0xab: {  	_ =	swait.ge [sflag:s28], $0x200  }
0xac: {  	[sflag:s28] =	ssyncset.done $0x0  }
.Ltmp0:
0xad: {  	[sflag:s28] =	ssyncadd.s32 $0xFFFFFE00;
	(pc) =	sbr.rel @p3 .LBB2_2-.Ltmp0, $4  }
0xae: {  	_ =	swait.ge [sflag:s2], $0x3C00  }
0xaf: {  	[sflag:s2] =	ssyncset.done $0x0  }
0xb0: {  	[sflag:s2] =	ssyncadd.s32 $0xFFFFC400  }
0xb1: {  	[spmem:s3] =	stream.indirect.scatter.add.f32 [tilespmem:s0], [sflag:$0x3], $0x80, s7, s29, $0xb8;
	[tilespmem:$0x1EFE0] =	vst v63  }
0xb2: {  	[spmem:s4] =	stream.indirect.scatter.add.f32 @!p0 [tilespmem:s24], [sflag:$0x4], $0x1, s22, s21, $0xb8;
	[tilespmem:$0x1EFE0] =	vst v63  }
0xb3: {  	_ = 	snop  }
0xb4: {  	[tilespmem:s30], [sflag:$0x1] =	stream.indirect.gather [hbm4b:s1+s29], $0x80, s17, s29, $0xb8;
	[tilespmem:$0x1EFE0] =	vst v63  }
0xb5: {  	_ =	swait.ge [sflag:s8], $0x3C00  }
0xb6: {  	[sflag:s8] =	ssyncset.done $0x0  }
0xb7: {  	[sflag:s8] =	ssyncadd.s32 $0xFFFFC400  }
0xb8: {  	_ =	swait.ge @!p0 [sflag:s23], $0x78  }
0xb9: {  	[sflag:s23] =	ssyncset.done @!p0 $0x0  }
0xba: {  	s9 =	rddreg [dreg:$0x15];
	[sflag:s23] =	ssyncadd.s32 @!p0 $0xFFFFFF88  }
0xbb: {  	[tilespmem:s31], [sflag:$0x5] =	stream.linear.gather [hbm4b:s9+s5], $0x200, $0x38;
	[tilespmem:$0x1EFE0] =	vst v63  }
0xbc: {  	_ =	swait.ge [sflag:s28], $0x200  }
0xbd: {  	[sflag:s28] =	ssyncset.done $0x0  }
0xbe: {  	[sflag:s28] =	ssyncadd.s32 $0xFFFFFE00  }
0xbf: {  	[tilespmem:s0], [sflag:$0x1] =	stream.indirect.gather [hbm4b:s1+s29], $0x80, s26, s29, $0xb8;
	[tilespmem:$0x1EFE0] =	vst v63  }
0xc0: {  	_ =	swait.ge [sflag:s2], $0x3C00  }
0xc1: {  	[sflag:s2] =	ssyncset.done $0x0  }
0xc2: {  	s9 =	simm.s32 @p1 $0x1;
	[sflag:s2] =	ssyncadd.s32 $0xFFFFC400  }
0xc3: {  	[spmem:s3] =	stream.indirect.scatter.add.f32 [tilespmem:s30], [sflag:$0x2], $0x80, s6, s29, $0xb8;
	[tilespmem:$0x1EFE0] =	vst v63  }
0xc4: {  	_ =	swait.ge @p1 [sflag:s9], $0x3C00  }
0xc5: {  	s10 =	simm.s32 @p1 $0x300;
	[sflag:s9] =	ssyncset.done @p1 $0x0  }
0xc6: {  	s12 =	simm.s32 @p1 $0x4000;
	[sflag:s9] =	ssyncadd.s32 @p1 $0xFFFFC400;
	s9 =	simm.s32 @p1 $0x78  }
0xc7: {  	[spmem:s3] =	stream.indirect.scatter.add.f32 @p1 [tilespmem:s12], [sflag:$0x3], $0x80, s10, s9, $0xb8;
	[tilespmem:$0x1EFE0] =	vst v63  }
0xc8: {  	s10 =	simm.s32 @p1 $0x380;
	s12 =	simm.s32 @p1 $0x7C00  }
0xc9: {  	[spmem:s4] =	stream.indirect.scatter.add.f32 @p1 [tilespmem:s12], [sflag:$0x4], $0x1, s10, s9, $0xb8;
	[tilespmem:$0x1EFE0] =	vst v63  }
0xca: {  	s9 =	simm.s32 @!p1 $0x1  }
0xcb: {  	[spmem:s4] =	stream.indirect.scatter.add.f32 @!p1 [tilespmem:s20], [sflag:$0x4], $0x1, s25, s19, $0xb8;
	[tilespmem:$0x1EFE0] =	vst v63  }
0xcc: {  	_ =	swait.ge @!p1 [sflag:s9], $0x3C00  }
0xcd: {  	s23 =	simm.s32 $0x2;
	[sflag:s9] =	ssyncset.done @!p1 $0x0  }
0xce: {  	s10 =	simm.s32 @!p1 $0x4000;
	[sflag:s9] =	ssyncadd.s32 @!p1 $0xFFFFC400;
	s9 =	simm.s32 @!p1 $0x300  }
0xcf: {  	[spmem:s3] =	stream.indirect.scatter.add.f32 @!p1 [tilespmem:s10], [sflag:$0x3], $0x80, s9, s19, $0xb8;
	[tilespmem:$0x1EFE0] =	vst v63  }
0xd0: {  	_ =	swait.ge [sflag:s23], $0x3C00  }
0xd1: {  	[sflag:s23] =	ssyncset.done $0x0  }
0xd2: {  	[sflag:s23] =	ssyncadd.s32 $0xFFFFC400  }
0xd3: {  	_ =	swait.ge [sflag:s8], $0x3C00  }
0xd4: {  	[sflag:s8] =	ssyncset.done $0x0  }
0xd5: {  	s24 =	simm.s32 $0x4;
	[sflag:s8] =	ssyncadd.s32 $0xFFFFC400  }
0xd6: {  	_ =	swait.ge [sflag:s24], $0x78  }
0xd7: {  	[sflag:s24] =	ssyncset.done $0x0  }
0xd8: {  	[sflag:s24] =	ssyncadd.s32 $0xFFFFFF88  }
0xd9: {  	[bflag:$0x0] =	sbarrier.arrive $0xFFFF  }
0xda: {  	s10 =	rddreg [dreg:$0x10]  }
0xdb: {  	s9 =	simm.s32 @p2 $0x1FC5;
	s12 =	rddreg [dreg:$0x17]  }
0xdc: {  	[hbm:s10], [sflag:s9] =	dma.local @p2 [spmem:s12], $0x2080  }
0xdd: {  	s10 =	simm.s32 @p2 $0x5  }
0xde: {  	_ =	swait.ge @p2 [sflag:s10], $0x2080  }
0xdf: {  	[sflag:s10] =	ssyncset.done @p2 $0x0;
	s12 =	rddreg [dreg:$0x11]  }
0xe0: {  	s13 =	rddreg [dreg:$0x18];
	[sflag:s10] =	ssyncadd.s32 @p2 $0xFFFFDF80  }
0xe1: {  	[hbm:s12], [sflag:s9] =	dma.local @p2 [spmem:s13], $0x690  }
0xe2: {  	_ =	swait.ge @p2 [sflag:s10], $0x690  }
0xe3: {  	[sflag:s10] =	ssyncset.done @p2 $0x0;
	s9 =	rddreg [dreg:$0xf]  }
0xe4: {  	[sflag:s10] =	ssyncadd.s32 @p2 $0xFFFFF970;
	s10 =	rddreg [dreg:$0x19]  }
0xe5: {  	[hbm:s9], [sflag:s14] =	dma.local @!p2 [spmem:s10], $0x2780  }
0xe6: {  	s9 =	simm.s32 @!p2 $0x5  }
0xe7: {  	_ =	swait.ge @!p2 [sflag:s9], $0x2780  }
0xe8: {  	[sflag:s9] =	ssyncset.done @!p2 $0x0;
	s10 =	rddreg [dreg:$0xe]  }
0xe9: {  	s12 =	rddreg [dreg:$0x1a];
	[sflag:s9] =	ssyncadd.s32 @!p2 $0xFFFFD880  }
0xea: {  	[hbm:s10], [sflag:s14] =	dma.local @!p2 [spmem:s12], $0x760  }
0xeb: {  	_ =	swait.ge @!p2 [sflag:s9], $0x760  }
0xec: {  	s11 =	sadd.s32 $0x1, s11;
	s25 =	rddreg [dreg:$0x12]  }
0xed: {  	p3 =	sne.s32 s11, s25  }
.Ltmp1:
0xee: {  	_ = 	snop;
	(pc) =	sbr.rel @p3 .LBB2_1-.Ltmp1, $3  }
0xef: {  	_ =	sdelay $0x1  }
0xf0: {  	[sflag:s9] =	ssyncset.done @!p2 $0x0  }
0xf1: {  	[sflag:s9] =	ssyncadd.s32 @!p2 $0xFFFFF8A0  }
0xf2: {  	_ =	sfence.sel $0x180000  }
0xf3: {  	[bflag:$0x0] =	sbarrier.arrive $0xFFFF  }
0xf4: {  	_ =	strace $0x90000047  }
0xf5: {  	s0 =	stileid.u32;
	[bflag:$0x2] =	sbarrier.arrive $0xFFFF  }
0xf6: {  	p0 =	sne.s32 s0, $0x0;
	s0 =	rddreg [dreg:$0x4]  }
0xf7: {  	s0 =	sadd.s32 @!p0 $0x100000, s0  }
0xf8: {  	[sflag:s0] =	ssyncadd.tile.s32 @!p0 $0x1;
	_ =	shalt  }
.Lfunc_end2:
_tile_overlayer_lowered:
.L_overlay_start_2:
0xf9: {  	(tag) =	ssettag $0x2  }
0xfa: {  	s0 =	rddreg [dreg:$0x0];
	s2 =	stileid.u32  }
0xfb: {  	s1 =	rddreg [dreg:$0x1];
	p0 =	sne.s32 s2, $0x0  }
0xfc: {  	s3 =	rddreg [dreg:$0x2];
	[bflag:$0x3] =	sbarrier.arrive $0xFFFF;
	s2 =	simm.s32 @!p0 $0x1C05  }
0xfd: {  	[timem:s3], [sflag:s2] =	dma.local @!p0 [hbm:s0], s1  }
0xfe: {  	s0 =	simm.s32 @!p0 $0x5  }
0xff: {  	_ =	swait.ge @!p0 [sflag:s0], s1  }
0x100: {  	s1 =	ssub.s32 @!p0 $0x0, s1;
	[sflag:s0] =	ssyncset.done @!p0 $0x0  }
0x101: {  	[sflag:s0] =	ssyncadd.s32 @!p0 s1  }
0x102: {  	[bflag:$0x3] =	sbarrier.arrive $0xFFFF  }
0x103: {  	_ =	shalt  }

</sc_bundles>
